<compile_context>
chip_gen: v7x
topology: tpu7x:2x2x1
jax: 0.10.2.dev20260603
libtpu: 0.0.44.dev20260713+nightly
codegen_flags: <defaults>
</compile_context>

<pallas_src>
import functools

import jax
import jax.numpy as jnp
from jax import lax
from jax.experimental import pallas as pl
from jax.experimental.pallas import tpu as pltpu
from jax.experimental.pallas import tpu_sc as plsc

NUM_SPACE = 8
CONCEPT_DIM = 32
NUM_CONCEPT = 1024
TOK_TILE = 224
NUM_TOK_TILES = 7
NUM_TOKENS = TOK_TILE * NUM_TOK_TILES
NUM_ROWS = NUM_TOKENS * NUM_SPACE


def _mm_kt(a, b):
    return jax.lax.dot_general(
        a, b, (((1,), (1,)), ((), ())), preferred_element_type=jnp.float32)


def _split2(v):
    hi = v.astype(jnp.bfloat16)
    lo = (v - hi.astype(jnp.float32)).astype(jnp.bfloat16)
    return hi, lo


def _argmin_body(x_ref, e_ref, zk_ref, ea_ref):
    @pl.when(pl.program_id(0) == 0)
    def _prep():
        for i in range(NUM_SPACE):
            E = e_ref[i]
            eh, el = _split2(E)
            et = (E - eh.astype(jnp.float32)
                  - el.astype(jnp.float32)).astype(jnp.bfloat16)
            en = jnp.sum(E * E, axis=1, keepdims=True)
            enh, enl = _split2(en)
            ent = (en - enh.astype(jnp.float32)
                   - enl.astype(jnp.float32)).astype(jnp.bfloat16)
            ea_ref[i] = jnp.concatenate(
                [eh, eh, el, el, eh, et, enh, enl, ent], axis=1)

    xf = x_ref[0]
    xh, xl = _split2(xf)
    xt = (xf - xh.astype(jnp.float32)
          - xl.astype(jnp.float32)).astype(jnp.bfloat16)
    half = jnp.full((TOK_TILE, 3), -0.5, jnp.bfloat16)
    zks = []
    for i in range(NUM_SPACE):
        sl = slice(i * CONCEPT_DIM, (i + 1) * CONCEPT_DIM)
        zc = jnp.concatenate([xh[:, sl], xl[:, sl]], axis=1)
        za = jnp.concatenate([zc, zc, xt[:, sl], xh[:, sl], half], axis=1)
        scores = _mm_kt(ea_ref[i], za)
        zks.append(jnp.argmax(scores, axis=0).astype(jnp.int32))
    zk_ref[0] = jnp.stack(zks, axis=0)


GATHER_CHUNKS = 4
CHUNK = 98
PAD_D = 128


def _sc_gather(table_hbm, idx_hbm, out_hbm, idx_v, rows_v, sem):
    info = plsc.get_sparse_core_info()
    wid = lax.axis_index("s") * info.num_cores + lax.axis_index("c")
    pltpu.sync_copy(idx_hbm.at[wid], idx_v)
    copies = [
        pltpu.async_copy(table_hbm.at[idx_v.at[c]], rows_v.at[c], sem)
        for c in range(GATHER_CHUNKS)
    ]
    for cp in copies:
        cp.wait()
    pltpu.sync_copy(rows_v, out_hbm.at[wid])


def kernel(x, embeds):
    B, H, W, C = x.shape
    x3 = x.reshape(NUM_TOK_TILES, TOK_TILE, C)
    zk = pl.pallas_call(
        _argmin_body,
        grid=(NUM_TOK_TILES,),
        in_specs=[
            pl.BlockSpec((1, TOK_TILE, C), lambda j: (j, 0, 0)),
            pl.BlockSpec((NUM_SPACE, NUM_CONCEPT, CONCEPT_DIM),
                         lambda j: (0, 0, 0)),
        ],
        out_specs=pl.BlockSpec((1, NUM_SPACE, TOK_TILE), lambda j: (j, 0, 0)),
        out_shape=jax.ShapeDtypeStruct(
            (NUM_TOK_TILES, NUM_SPACE, TOK_TILE), jnp.int32),
        scratch_shapes=[
            pltpu.VMEM((NUM_SPACE, NUM_CONCEPT, 6 * CONCEPT_DIM + 3),
                       jnp.bfloat16),
        ],
    )(x3, embeds)
    idx = (zk + (jnp.arange(NUM_SPACE, dtype=jnp.int32)[None, :, None]
                 * NUM_CONCEPT)).transpose(0, 2, 1)

    info = plsc.get_sparse_core_info()
    nw = info.num_cores * info.num_subcores
    mesh = plsc.VectorSubcoreMesh(core_axis_name="c", subcore_axis_name="s")
    gather = functools.partial(
        pl.kernel, mesh=mesh,
        out_type=jax.ShapeDtypeStruct((nw, GATHER_CHUNKS, CHUNK, PAD_D),
                                      jnp.float32),
        scratch_types=[
            pltpu.VMEM((GATHER_CHUNKS, CHUNK), jnp.int32),
            pltpu.VMEM((GATHER_CHUNKS, CHUNK, PAD_D), jnp.float32),
            pltpu.SemaphoreType.DMA,
        ],
    )(_sc_gather)
    table_pad = jnp.pad(
        embeds.reshape(NUM_SPACE * NUM_CONCEPT, CONCEPT_DIM),
        ((0, 0), (0, PAD_D - CONCEPT_DIM)))
    rows = gather(table_pad, idx.reshape(nw, GATHER_CHUNKS, CHUNK))

    z_q = rows.reshape(NUM_ROWS, PAD_D)[:, :CONCEPT_DIM].reshape(B, H, W, C)
    z_k = zk.transpose(1, 0, 2).reshape(NUM_SPACE, B, H * W)
    return (z_q, x, z_k)

# --- scband reference (transcript-rebuilt; emitter-appended) ---
"""Pipeline reference for scband-qlayer-47407849013332 (READ-ONLY COPY).

The authoritative reference and input builder live on the scoring server;
editing this copy changes nothing except your own understanding.
"""

import jax, jax.numpy as jnp
import numpy as np

NUM_SPACE = 8
CONCEPT_DIM = 32
NUM_CONCEPT = 1024


def setup_inputs(seed: int = 0) -> dict:
    key = jax.random.key(seed)
    k1, k2 = jax.random.split(key)
    x = jax.random.normal(k1, (8, 14, 14, 256), dtype=jnp.float32)
    # learned codebooks: one [num_concept, concept_dim] table per subspace (set_fixed=8)
    embeds = jax.random.normal(k2, (NUM_SPACE, NUM_CONCEPT, CONCEPT_DIM), dtype=jnp.float32) * 0.1
    return {"x": x, "embeds": embeds}


def reference(x, embeds):
    # QLayer.call with set_fixed=8, set_trans=0, set_att=0, direct_pass=False
    shape = x.shape  # (B, H, W, C), len > 3 -> flatten spatial dims
    xr = x.reshape(-1, shape[1] * shape[2], shape[3])  # (B, HW, C)
    z_qs, z_es, z_ks = [], [], []
    for i in range(NUM_SPACE):
        # set_fixed != 0: take the i-th channel slice as z_e_att
        z_e_att = xr[:, :, i * CONCEPT_DIM:(i + 1) * CONCEPT_DIM]  # (B, HW, cd)
        # _t = tf.norm(expand_dims(z_e_att, -2) - embed, axis=-1)
        diff = z_e_att[:, :, None, :] - embeds[i][None, None, :, :]  # (B, HW, K, cd)
        t = jnp.linalg.norm(diff, axis=-1)  # (B, HW, K)
        z_k = jnp.argmin(t, axis=-1)  # (B, HW)
        z_q_sub = jnp.take(embeds[i], z_k, axis=0)  # gather -> (B, HW, cd)
        z_ks.append(z_k.reshape(1, -1, xr.shape[1]))
        z_qs.append(z_q_sub)
        z_es.append(z_e_att)
    out_dim = NUM_SPACE * CONCEPT_DIM  # set_att == 0 -> concat path
    z_q = jnp.concatenate(z_qs, axis=-1).reshape(-1, shape[1], shape[2], out_dim)
    z_e = jnp.concatenate(z_es, axis=-1).reshape(-1, shape[1], shape[2], out_dim)
    z_k = jnp.concatenate(z_ks, axis=0)  # (num_space, B, HW)
    return (z_q, z_e, z_k)

if __name__ == "__main__":
    import jax
    _d = setup_inputs()
    print(jax.jit(kernel)(*tuple(_d.values())))

</pallas_src>

<mosaic_0001>
#map = affine_map<(d0, d1) -> (0, 0)>
#map1 = affine_map<(d0, d1) -> (0, 0, 0)>
#map2 = affine_map<(d0, d1) -> (0, 0, 0, 0)>
module attributes {stable_mosaic.version = 14 : i64} {
  func.func @_sc_gather(%arg0: i32, %arg1: i32, %arg2: memref<8192x128xf32, #tpu.memory_space<hbm>>, %arg3: memref<32x4x98xi32, #tpu.memory_space<hbm>>, %arg4: memref<32x4x98x128xf32, #tpu.memory_space<hbm>>, %arg5: memref<4x98xi32, #tpu.memory_space<vmem>>, %arg6: memref<4x98x128xf32, #tpu.memory_space<vmem>>, %arg7: memref<!tpu.dma_semaphore, #tpu.memory_space<semaphore_mem>>) attributes {dimension_semantics = [#tpu.dimension_semantics<core_parallel>, #tpu.dimension_semantics<subcore_parallel>], iteration_bounds = array<i64: 2, 16>, scalar_prefetch = 0 : i64, scratch_operands = 3 : i64, tpu.core_type = #tpu.core_type<sc_vector_subcore>, window_params = [{transform_indices = #map}, {transform_indices = #map1}, {transform_indices = #map2}]} {
    %mul3A = arith.constant 2 : i32
    %mul3A_0 = arith.muli %arg1, %mul3A : i32
    %add3A = arith.addi %mul3A_0, %arg0 : i32
    "tpu.region"() ({
      %run_scoped3A = tpu.sem_alloc : memref<!tpu.dma_semaphore, #tpu.memory_space<semaphore_mem>>
      %dma_start3A_95 = arith.constant 0 : i32
      %dma_start3A_96 = arith.constant 0 : i32
      %dma_start3A_97 = tpu.memref_slice %arg3[%add3A, %dma_start3A_95, %dma_start3A_96] : memref<32x4x98xi32, #tpu.memory_space<hbm>> -> memref<1x4x98xi32, #tpu.memory_space<hbm>>
      %dma_start3A_98 = tpu.memref_squeeze %dma_start3A_97 : memref<1x4x98xi32, #tpu.memory_space<hbm>> -> memref<4x98xi32, #tpu.memory_space<hbm>>
      %dma_start3A_99 = arith.constant 0 : i32
      %dma_start3A_100 = arith.constant 0 : i32
      %dma_start3A_101 = tpu.memref_slice %arg3[%add3A, %dma_start3A_99, %dma_start3A_100] : memref<32x4x98xi32, #tpu.memory_space<hbm>> -> memref<1x4x98xi32, #tpu.memory_space<hbm>>
      %dma_start3A_102 = tpu.memref_squeeze %dma_start3A_101 : memref<1x4x98xi32, #tpu.memory_space<hbm>> -> memref<4x98xi32, #tpu.memory_space<hbm>>
      tpu.enqueue_dma source(%dma_start3A_102 : memref<4x98xi32, #tpu.memory_space<hbm>>) target(%arg5 : memref<4x98xi32, #tpu.memory_space<vmem>>) target_semaphore(%run_scoped3A : memref<!tpu.dma_semaphore, #tpu.memory_space<semaphore_mem>>)
      %dma_wait3A_103 = arith.constant 0 : i32
      %dma_wait3A_104 = arith.constant 0 : i32
      %dma_wait3A_105 = tpu.memref_slice %arg3[%add3A, %dma_wait3A_103, %dma_wait3A_104] : memref<32x4x98xi32, #tpu.memory_space<hbm>> -> memref<1x4x98xi32, #tpu.memory_space<hbm>>
      %dma_wait3A_106 = tpu.memref_squeeze %dma_wait3A_105 : memref<1x4x98xi32, #tpu.memory_space<hbm>> -> memref<4x98xi32, #tpu.memory_space<hbm>>
      %dma_wait3A_107 = arith.constant 0 : i32
      %dma_wait3A_108 = arith.constant 0 : i32
      %dma_wait3A_109 = tpu.memref_slice %arg3[%add3A, %dma_wait3A_107, %dma_wait3A_108] : memref<32x4x98xi32, #tpu.memory_space<hbm>> -> memref<1x4x98xi32, #tpu.memory_space<hbm>>
      %dma_wait3A_110 = tpu.memref_squeeze %dma_wait3A_109 : memref<1x4x98xi32, #tpu.memory_space<hbm>> -> memref<4x98xi32, #tpu.memory_space<hbm>>
      tpu.wait_dma2 semaphore(%run_scoped3A : memref<!tpu.dma_semaphore, #tpu.memory_space<semaphore_mem>>) src(%dma_wait3A_110 : memref<4x98xi32, #tpu.memory_space<hbm>>) dst(%arg5 : memref<4x98xi32, #tpu.memory_space<vmem>>)
      tpu.yield
    }) : () -> ()
    %dma_start3A = arith.constant 0 : i32
    %dma_start3A_1 = arith.constant 0 : i32
    %dma_start3A_2 = arith.constant 0 : i32
    %dma_start3A_3 = arith.constant 0 : i32
    %dma_start3A_4 = tpu.memref_slice %arg6[%dma_start3A_1, %dma_start3A_2, %dma_start3A_3] : memref<4x98x128xf32, #tpu.memory_space<vmem>> -> memref<1x98x128xf32, #tpu.memory_space<vmem>>
    %dma_start3A_5 = tpu.memref_squeeze %dma_start3A_4 : memref<1x98x128xf32, #tpu.memory_space<vmem>> -> memref<98x128xf32, #tpu.memory_space<vmem>>
    %dma_start3A_6 = arith.constant 0 : i32
    %dma_start3A_7 = tpu.memref_slice %arg5[%dma_start3A, %dma_start3A_6] : memref<4x98xi32, #tpu.memory_space<vmem>> -> memref<1x98xi32, #tpu.memory_space<vmem>>
    %dma_start3A_8 = tpu.memref_squeeze %dma_start3A_7 : memref<1x98xi32, #tpu.memory_space<vmem>> -> memref<98xi32, #tpu.memory_space<vmem>>
    %dma_start3A_9 = arith.constant 0 : i32
    %dma_start3A_10 = arith.constant 0 : i32
    %dma_start3A_11 = tpu.memref_slice %arg2[%dma_start3A_9, %dma_start3A_10] : memref<8192x128xf32, #tpu.memory_space<hbm>> -> memref<8192x128xf32, #tpu.memory_space<hbm>>
    tpu.enqueue_indirect_dma source(%dma_start3A_11 : memref<8192x128xf32, #tpu.memory_space<hbm>>) target(%dma_start3A_5 : memref<98x128xf32, #tpu.memory_space<vmem>>) offsets(%dma_start3A_8 : memref<98xi32, #tpu.memory_space<vmem>>) semaphore(%arg7 : memref<!tpu.dma_semaphore, #tpu.memory_space<semaphore_mem>>)
    %dma_start3A_12 = arith.constant 1 : i32
    %dma_start3A_13 = arith.constant 1 : i32
    %dma_start3A_14 = arith.constant 0 : i32
    %dma_start3A_15 = arith.constant 0 : i32
    %dma_start3A_16 = tpu.memref_slice %arg6[%dma_start3A_13, %dma_start3A_14, %dma_start3A_15] : memref<4x98x128xf32, #tpu.memory_space<vmem>> -> memref<1x98x128xf32, #tpu.memory_space<vmem>>
    %dma_start3A_17 = tpu.memref_squeeze %dma_start3A_16 : memref<1x98x128xf32, #tpu.memory_space<vmem>> -> memref<98x128xf32, #tpu.memory_space<vmem>>
    %dma_start3A_18 = arith.constant 0 : i32
    %dma_start3A_19 = tpu.memref_slice %arg5[%dma_start3A_12, %dma_start3A_18] : memref<4x98xi32, #tpu.memory_space<vmem>> -> memref<1x98xi32, #tpu.memory_space<vmem>>
    %dma_start3A_20 = tpu.memref_squeeze %dma_start3A_19 : memref<1x98xi32, #tpu.memory_space<vmem>> -> memref<98xi32, #tpu.memory_space<vmem>>
    %dma_start3A_21 = arith.constant 0 : i32
    %dma_start3A_22 = arith.constant 0 : i32
    %dma_start3A_23 = tpu.memref_slice %arg2[%dma_start3A_21, %dma_start3A_22] : memref<8192x128xf32, #tpu.memory_space<hbm>> -> memref<8192x128xf32, #tpu.memory_space<hbm>>
    tpu.enqueue_indirect_dma source(%dma_start3A_23 : memref<8192x128xf32, #tpu.memory_space<hbm>>) target(%dma_start3A_17 : memref<98x128xf32, #tpu.memory_space<vmem>>) offsets(%dma_start3A_20 : memref<98xi32, #tpu.memory_space<vmem>>) semaphore(%arg7 : memref<!tpu.dma_semaphore, #tpu.memory_space<semaphore_mem>>)
    %dma_start3A_24 = arith.constant 2 : i32
    %dma_start3A_25 = arith.constant 2 : i32
    %dma_start3A_26 = arith.constant 0 : i32
    %dma_start3A_27 = arith.constant 0 : i32
    %dma_start3A_28 = tpu.memref_slice %arg6[%dma_start3A_25, %dma_start3A_26, %dma_start3A_27] : memref<4x98x128xf32, #tpu.memory_space<vmem>> -> memref<1x98x128xf32, #tpu.memory_space<vmem>>
    %dma_start3A_29 = tpu.memref_squeeze %dma_start3A_28 : memref<1x98x128xf32, #tpu.memory_space<vmem>> -> memref<98x128xf32, #tpu.memory_space<vmem>>
    %dma_start3A_30 = arith.constant 0 : i32
    %dma_start3A_31 = tpu.memref_slice %arg5[%dma_start3A_24, %dma_start3A_30] : memref<4x98xi32, #tpu.memory_space<vmem>> -> memref<1x98xi32, #tpu.memory_space<vmem>>
    %dma_start3A_32 = tpu.memref_squeeze %dma_start3A_31 : memref<1x98xi32, #tpu.memory_space<vmem>> -> memref<98xi32, #tpu.memory_space<vmem>>
    %dma_start3A_33 = arith.constant 0 : i32
    %dma_start3A_34 = arith.constant 0 : i32
    %dma_start3A_35 = tpu.memref_slice %arg2[%dma_start3A_33, %dma_start3A_34] : memref<8192x128xf32, #tpu.memory_space<hbm>> -> memref<8192x128xf32, #tpu.memory_space<hbm>>
    tpu.enqueue_indirect_dma source(%dma_start3A_35 : memref<8192x128xf32, #tpu.memory_space<hbm>>) target(%dma_start3A_29 : memref<98x128xf32, #tpu.memory_space<vmem>>) offsets(%dma_start3A_32 : memref<98xi32, #tpu.memory_space<vmem>>) semaphore(%arg7 : memref<!tpu.dma_semaphore, #tpu.memory_space<semaphore_mem>>)
    %dma_start3A_36 = arith.constant 3 : i32
    %dma_start3A_37 = arith.constant 3 : i32
    %dma_start3A_38 = arith.constant 0 : i32
    %dma_start3A_39 = arith.constant 0 : i32
    %dma_start3A_40 = tpu.memref_slice %arg6[%dma_start3A_37, %dma_start3A_38, %dma_start3A_39] : memref<4x98x128xf32, #tpu.memory_space<vmem>> -> memref<1x98x128xf32, #tpu.memory_space<vmem>>
    %dma_start3A_41 = tpu.memref_squeeze %dma_start3A_40 : memref<1x98x128xf32, #tpu.memory_space<vmem>> -> memref<98x128xf32, #tpu.memory_space<vmem>>
    %dma_start3A_42 = arith.constant 0 : i32
    %dma_start3A_43 = tpu.memref_slice %arg5[%dma_start3A_36, %dma_start3A_42] : memref<4x98xi32, #tpu.memory_space<vmem>> -> memref<1x98xi32, #tpu.memory_space<vmem>>
    %dma_start3A_44 = tpu.memref_squeeze %dma_start3A_43 : memref<1x98xi32, #tpu.memory_space<vmem>> -> memref<98xi32, #tpu.memory_space<vmem>>
    %dma_start3A_45 = arith.constant 0 : i32
    %dma_start3A_46 = arith.constant 0 : i32
    %dma_start3A_47 = tpu.memref_slice %arg2[%dma_start3A_45, %dma_start3A_46] : memref<8192x128xf32, #tpu.memory_space<hbm>> -> memref<8192x128xf32, #tpu.memory_space<hbm>>
    tpu.enqueue_indirect_dma source(%dma_start3A_47 : memref<8192x128xf32, #tpu.memory_space<hbm>>) target(%dma_start3A_41 : memref<98x128xf32, #tpu.memory_space<vmem>>) offsets(%dma_start3A_44 : memref<98xi32, #tpu.memory_space<vmem>>) semaphore(%arg7 : memref<!tpu.dma_semaphore, #tpu.memory_space<semaphore_mem>>)
    %dma_wait3A = arith.constant 0 : i32
    %dma_wait3A_48 = arith.constant 0 : i32
    %dma_wait3A_49 = arith.constant 0 : i32
    %dma_wait3A_50 = arith.constant 0 : i32
    %dma_wait3A_51 = tpu.memref_slice %arg6[%dma_wait3A_48, %dma_wait3A_49, %dma_wait3A_50] : memref<4x98x128xf32, #tpu.memory_space<vmem>> -> memref<1x98x128xf32, #tpu.memory_space<vmem>>
    %dma_wait3A_52 = tpu.memref_squeeze %dma_wait3A_51 : memref<1x98x128xf32, #tpu.memory_space<vmem>> -> memref<98x128xf32, #tpu.memory_space<vmem>>
    %dma_wait3A_53 = arith.constant 0 : i32
    %dma_wait3A_54 = tpu.memref_slice %arg5[%dma_wait3A, %dma_wait3A_53] : memref<4x98xi32, #tpu.memory_space<vmem>> -> memref<1x98xi32, #tpu.memory_space<vmem>>
    %dma_wait3A_55 = tpu.memref_squeeze %dma_wait3A_54 : memref<1x98xi32, #tpu.memory_space<vmem>> -> memref<98xi32, #tpu.memory_space<vmem>>
    %dma_wait3A_56 = arith.constant 0 : i32
    %dma_wait3A_57 = arith.constant 0 : i32
    %dma_wait3A_58 = tpu.memref_slice %arg2[%dma_wait3A_56, %dma_wait3A_57] : memref<8192x128xf32, #tpu.memory_space<hbm>> -> memref<8192x128xf32, #tpu.memory_space<hbm>>
    tpu.wait_indirect_dma semaphore(%arg7 : memref<!tpu.dma_semaphore, #tpu.memory_space<semaphore_mem>>) src(%dma_wait3A_58 : memref<8192x128xf32, #tpu.memory_space<hbm>>) dst(%dma_wait3A_52 : memref<98x128xf32, #tpu.memory_space<vmem>>)
    %dma_wait3A_59 = arith.constant 1 : i32
    %dma_wait3A_60 = arith.constant 1 : i32
    %dma_wait3A_61 = arith.constant 0 : i32
    %dma_wait3A_62 = arith.constant 0 : i32
    %dma_wait3A_63 = tpu.memref_slice %arg6[%dma_wait3A_60, %dma_wait3A_61, %dma_wait3A_62] : memref<4x98x128xf32, #tpu.memory_space<vmem>> -> memref<1x98x128xf32, #tpu.memory_space<vmem>>
    %dma_wait3A_64 = tpu.memref_squeeze %dma_wait3A_63 : memref<1x98x128xf32, #tpu.memory_space<vmem>> -> memref<98x128xf32, #tpu.memory_space<vmem>>
    %dma_wait3A_65 = arith.constant 0 : i32
    %dma_wait3A_66 = tpu.memref_slice %arg5[%dma_wait3A_59, %dma_wait3A_65] : memref<4x98xi32, #tpu.memory_space<vmem>> -> memref<1x98xi32, #tpu.memory_space<vmem>>
    %dma_wait3A_67 = tpu.memref_squeeze %dma_wait3A_66 : memref<1x98xi32, #tpu.memory_space<vmem>> -> memref<98xi32, #tpu.memory_space<vmem>>
    %dma_wait3A_68 = arith.constant 0 : i32
    %dma_wait3A_69 = arith.constant 0 : i32
    %dma_wait3A_70 = tpu.memref_slice %arg2[%dma_wait3A_68, %dma_wait3A_69] : memref<8192x128xf32, #tpu.memory_space<hbm>> -> memref<8192x128xf32, #tpu.memory_space<hbm>>
    tpu.wait_indirect_dma semaphore(%arg7 : memref<!tpu.dma_semaphore, #tpu.memory_space<semaphore_mem>>) src(%dma_wait3A_70 : memref<8192x128xf32, #tpu.memory_space<hbm>>) dst(%dma_wait3A_64 : memref<98x128xf32, #tpu.memory_space<vmem>>)
    %dma_wait3A_71 = arith.constant 2 : i32
    %dma_wait3A_72 = arith.constant 2 : i32
    %dma_wait3A_73 = arith.constant 0 : i32
    %dma_wait3A_74 = arith.constant 0 : i32
    %dma_wait3A_75 = tpu.memref_slice %arg6[%dma_wait3A_72, %dma_wait3A_73, %dma_wait3A_74] : memref<4x98x128xf32, #tpu.memory_space<vmem>> -> memref<1x98x128xf32, #tpu.memory_space<vmem>>
    %dma_wait3A_76 = tpu.memref_squeeze %dma_wait3A_75 : memref<1x98x128xf32, #tpu.memory_space<vmem>> -> memref<98x128xf32, #tpu.memory_space<vmem>>
    %dma_wait3A_77 = arith.constant 0 : i32
    %dma_wait3A_78 = tpu.memref_slice %arg5[%dma_wait3A_71, %dma_wait3A_77] : memref<4x98xi32, #tpu.memory_space<vmem>> -> memref<1x98xi32, #tpu.memory_space<vmem>>
    %dma_wait3A_79 = tpu.memref_squeeze %dma_wait3A_78 : memref<1x98xi32, #tpu.memory_space<vmem>> -> memref<98xi32, #tpu.memory_space<vmem>>
    %dma_wait3A_80 = arith.constant 0 : i32
    %dma_wait3A_81 = arith.constant 0 : i32
    %dma_wait3A_82 = tpu.memref_slice %arg2[%dma_wait3A_80, %dma_wait3A_81] : memref<8192x128xf32, #tpu.memory_space<hbm>> -> memref<8192x128xf32, #tpu.memory_space<hbm>>
    tpu.wait_indirect_dma semaphore(%arg7 : memref<!tpu.dma_semaphore, #tpu.memory_space<semaphore_mem>>) src(%dma_wait3A_82 : memref<8192x128xf32, #tpu.memory_space<hbm>>) dst(%dma_wait3A_76 : memref<98x128xf32, #tpu.memory_space<vmem>>)
    %dma_wait3A_83 = arith.constant 3 : i32
    %dma_wait3A_84 = arith.constant 3 : i32
    %dma_wait3A_85 = arith.constant 0 : i32
    %dma_wait3A_86 = arith.constant 0 : i32
    %dma_wait3A_87 = tpu.memref_slice %arg6[%dma_wait3A_84, %dma_wait3A_85, %dma_wait3A_86] : memref<4x98x128xf32, #tpu.memory_space<vmem>> -> memref<1x98x128xf32, #tpu.memory_space<vmem>>
    %dma_wait3A_88 = tpu.memref_squeeze %dma_wait3A_87 : memref<1x98x128xf32, #tpu.memory_space<vmem>> -> memref<98x128xf32, #tpu.memory_space<vmem>>
    %dma_wait3A_89 = arith.constant 0 : i32
    %dma_wait3A_90 = tpu.memref_slice %arg5[%dma_wait3A_83, %dma_wait3A_89] : memref<4x98xi32, #tpu.memory_space<vmem>> -> memref<1x98xi32, #tpu.memory_space<vmem>>
    %dma_wait3A_91 = tpu.memref_squeeze %dma_wait3A_90 : memref<1x98xi32, #tpu.memory_space<vmem>> -> memref<98xi32, #tpu.memory_space<vmem>>
    %dma_wait3A_92 = arith.constant 0 : i32
    %dma_wait3A_93 = arith.constant 0 : i32
    %dma_wait3A_94 = tpu.memref_slice %arg2[%dma_wait3A_92, %dma_wait3A_93] : memref<8192x128xf32, #tpu.memory_space<hbm>> -> memref<8192x128xf32, #tpu.memory_space<hbm>>
    tpu.wait_indirect_dma semaphore(%arg7 : memref<!tpu.dma_semaphore, #tpu.memory_space<semaphore_mem>>) src(%dma_wait3A_94 : memref<8192x128xf32, #tpu.memory_space<hbm>>) dst(%dma_wait3A_88 : memref<98x128xf32, #tpu.memory_space<vmem>>)
    "tpu.region"() ({
      %run_scoped3A = tpu.sem_alloc : memref<!tpu.dma_semaphore, #tpu.memory_space<semaphore_mem>>
      %dma_start3A_95 = arith.constant 0 : i32
      %dma_start3A_96 = arith.constant 0 : i32
      %dma_start3A_97 = arith.constant 0 : i32
      %dma_start3A_98 = tpu.memref_slice %arg4[%add3A, %dma_start3A_95, %dma_start3A_96, %dma_start3A_97] : memref<32x4x98x128xf32, #tpu.memory_space<hbm>> -> memref<1x4x98x128xf32, #tpu.memory_space<hbm>>
      %dma_start3A_99 = tpu.memref_squeeze %dma_start3A_98 : memref<1x4x98x128xf32, #tpu.memory_space<hbm>> -> memref<4x98x128xf32, #tpu.memory_space<hbm>>
      %dma_start3A_100 = arith.constant 0 : i32
      %dma_start3A_101 = arith.constant 0 : i32
      %dma_start3A_102 = arith.constant 0 : i32
      %dma_start3A_103 = tpu.memref_slice %arg4[%add3A, %dma_start3A_100, %dma_start3A_101, %dma_start3A_102] : memref<32x4x98x128xf32, #tpu.memory_space<hbm>> -> memref<1x4x98x128xf32, #tpu.memory_space<hbm>>
      %dma_start3A_104 = tpu.memref_squeeze %dma_start3A_103 : memref<1x4x98x128xf32, #tpu.memory_space<hbm>> -> memref<4x98x128xf32, #tpu.memory_space<hbm>>
      tpu.enqueue_dma source(%arg6 : memref<4x98x128xf32, #tpu.memory_space<vmem>>) target(%dma_start3A_104 : memref<4x98x128xf32, #tpu.memory_space<hbm>>) target_semaphore(%run_scoped3A : memref<!tpu.dma_semaphore, #tpu.memory_space<semaphore_mem>>)
      %dma_wait3A_105 = arith.constant 0 : i32
      %dma_wait3A_106 = arith.constant 0 : i32
      %dma_wait3A_107 = arith.constant 0 : i32
      %dma_wait3A_108 = tpu.memref_slice %arg4[%add3A, %dma_wait3A_105, %dma_wait3A_106, %dma_wait3A_107] : memref<32x4x98x128xf32, #tpu.memory_space<hbm>> -> memref<1x4x98x128xf32, #tpu.memory_space<hbm>>
      %dma_wait3A_109 = tpu.memref_squeeze %dma_wait3A_108 : memref<1x4x98x128xf32, #tpu.memory_space<hbm>> -> memref<4x98x128xf32, #tpu.memory_space<hbm>>
      %dma_wait3A_110 = arith.constant 0 : i32
      %dma_wait3A_111 = arith.constant 0 : i32
      %dma_wait3A_112 = arith.constant 0 : i32
      %dma_wait3A_113 = tpu.memref_slice %arg4[%add3A, %dma_wait3A_110, %dma_wait3A_111, %dma_wait3A_112] : memref<32x4x98x128xf32, #tpu.memory_space<hbm>> -> memref<1x4x98x128xf32, #tpu.memory_space<hbm>>
      %dma_wait3A_114 = tpu.memref_squeeze %dma_wait3A_113 : memref<1x4x98x128xf32, #tpu.memory_space<hbm>> -> memref<4x98x128xf32, #tpu.memory_space<hbm>>
      tpu.wait_dma2 semaphore(%run_scoped3A : memref<!tpu.dma_semaphore, #tpu.memory_space<semaphore_mem>>) src(%arg6 : memref<4x98x128xf32, #tpu.memory_space<vmem>>) dst(%dma_wait3A_114 : memref<4x98x128xf32, #tpu.memory_space<hbm>>)
      tpu.yield
    }) : () -> ()
    return
  }
}

module attributes {stable_mosaic.version = 14 : i64} {
  func.func @_argmin_body(%arg0: i32, %arg1: memref<1x224x256xf32, #tpu.memory_space<vmem>>, %arg2: memref<8x1024x32xf32, #tpu.memory_space<vmem>>, %arg3: memref<1x8x224xi32, #tpu.memory_space<vmem>>, %arg4: memref<8x1024x195xbf16, #tpu.memory_space<vmem>>) attributes {dimension_semantics = [#tpu.dimension_semantics<arbitrary>], iteration_bounds = array<i64: 7>, scalar_prefetch = 0 : i64, scratch_operands = 1 : i64, tpu.core_type = #tpu.core_type<tc>, window_params = [{transform_indices = @transform_0, window_bounds = array<i64: 1, 224, 256>}, {pipeline_mode = #tpu.pipeline_mode<synchronous>, transform_indices = @transform_1, window_bounds = array<i64: 8, 1024, 32>}, {transform_indices = @transform_2, window_bounds = array<i64: 1, 8, 224>}]} {
    %eq3A = arith.constant 0 : i32
    %eq3A_0 = arith.cmpi eq, %arg0, %eq3A : i32
    %convert_element_type3A = arith.extui %eq3A_0 : i1 to i32
    %cond3A = arith.constant 0 : i32
    %cond3A_1 = arith.cmpi ne, %convert_element_type3A, %cond3A : i32
    scf.if %cond3A_1 {
      %get3A_136 = arith.constant 0 : index
      %get3A_137 = arith.constant 0 : index
      %get3A_138 = arith.constant 0 : index
      %get3A_139 = vector.load %arg2[%get3A_136, %get3A_137, %get3A_138] : memref<8x1024x32xf32, #tpu.memory_space<vmem>>, vector<1x1024x32xf32>
      %get3A_140 = vector.shape_cast %get3A_139 : vector<1x1024x32xf32> to vector<1024x32xf32>
      %convert_element_type3A_141 = arith.truncf %get3A_140 : vector<1024x32xf32> to vector<1024x32xbf16>
      %convert_element_type3A_142 = arith.extf %convert_element_type3A_141 : vector<1024x32xbf16> to vector<1024x32xf32>
      %sub3A_143 = arith.subf %get3A_140, %convert_element_type3A_142 : vector<1024x32xf32>
      %convert_element_type3A_144 = arith.truncf %sub3A_143 : vector<1024x32xf32> to vector<1024x32xbf16>
      %convert_element_type3A_145 = arith.extf %convert_element_type3A_141 : vector<1024x32xbf16> to vector<1024x32xf32>
      %sub3A_146 = arith.subf %get3A_140, %convert_element_type3A_145 : vector<1024x32xf32>
      %convert_element_type3A_147 = arith.extf %convert_element_type3A_144 : vector<1024x32xbf16> to vector<1024x32xf32>
      %sub3A_148 = arith.subf %sub3A_146, %convert_element_type3A_147 : vector<1024x32xf32>
      %convert_element_type3A_149 = arith.truncf %sub3A_148 : vector<1024x32xf32> to vector<1024x32xbf16>
      %mul3A = arith.mulf %get3A_140, %get3A_140 : vector<1024x32xf32>
      %reduce_sum3A = arith.constant dense<0.000000e+00> : vector<1024xf32>
      %reduce_sum3A_150 = vector.multi_reduction <add>, %mul3A, %reduce_sum3A [1] : vector<1024x32xf32> to vector<1024xf32>
      %broadcast_in_dim3A_151 = vector.shape_cast %reduce_sum3A_150 : vector<1024xf32> to vector<1024x1xf32>
      %convert_element_type3A_152 = arith.truncf %broadcast_in_dim3A_151 : vector<1024x1xf32> to vector<1024x1xbf16>
      %convert_element_type3A_153 = arith.extf %convert_element_type3A_152 : vector<1024x1xbf16> to vector<1024x1xf32>
      %sub3A_154 = arith.subf %broadcast_in_dim3A_151, %convert_element_type3A_153 : vector<1024x1xf32>
      %convert_element_type3A_155 = arith.truncf %sub3A_154 : vector<1024x1xf32> to vector<1024x1xbf16>
      %convert_element_type3A_156 = arith.extf %convert_element_type3A_152 : vector<1024x1xbf16> to vector<1024x1xf32>
      %sub3A_157 = arith.subf %broadcast_in_dim3A_151, %convert_element_type3A_156 : vector<1024x1xf32>
      %convert_element_type3A_158 = arith.extf %convert_element_type3A_155 : vector<1024x1xbf16> to vector<1024x1xf32>
      %sub3A_159 = arith.subf %sub3A_157, %convert_element_type3A_158 : vector<1024x1xf32>
      %convert_element_type3A_160 = arith.truncf %sub3A_159 : vector<1024x1xf32> to vector<1024x1xbf16>
      %concatenate3A_161 = tpu.concatenate %convert_element_type3A_141, %convert_element_type3A_141, %convert_element_type3A_144, %convert_element_type3A_144, %convert_element_type3A_141, %convert_element_type3A_149, %convert_element_type3A_152, %convert_element_type3A_155, %convert_element_type3A_160 in 1 : vector<1024x32xbf16>, vector<1024x32xbf16>, vector<1024x32xbf16>, vector<1024x32xbf16>, vector<1024x32xbf16>, vector<1024x32xbf16>, vector<1024x1xbf16>, vector<1024x1xbf16>, vector<1024x1xbf16> -> vector<1024x195xbf16>
      %swap3A_162 = arith.constant 0 : index
      %swap3A_163 = arith.constant 0 : index
      %swap3A_164 = arith.constant 0 : index
      %swap3A_165 = vector.load %arg4[%swap3A_162, %swap3A_163, %swap3A_164] : memref<8x1024x195xbf16, #tpu.memory_space<vmem>>, vector<1x1024x195xbf16>
      %swap3A_166 = vector.shape_cast %swap3A_165 : vector<1x1024x195xbf16> to vector<1024x195xbf16>
      %swap3A_167 = vector.shape_cast %concatenate3A_161 : vector<1024x195xbf16> to vector<1x1024x195xbf16>
      tpu.vector_store %arg4[%swap3A_162, %swap3A_163, %swap3A_164], %swap3A_167 {strides = array<i32>} : memref<8x1024x195xbf16, #tpu.memory_space<vmem>>, vector<1x1024x195xbf16>,
      %get3A_168 = arith.constant 1 : index
      %get3A_169 = arith.constant 0 : index
      %get3A_170 = arith.constant 0 : index
      %get3A_171 = vector.load %arg2[%get3A_168, %get3A_169, %get3A_170] : memref<8x1024x32xf32, #tpu.memory_space<vmem>>, vector<1x1024x32xf32>
      %get3A_172 = vector.shape_cast %get3A_171 : vector<1x1024x32xf32> to vector<1024x32xf32>
      %convert_element_type3A_173 = arith.truncf %get3A_172 : vector<1024x32xf32> to vector<1024x32xbf16>
      %convert_element_type3A_174 = arith.extf %convert_element_type3A_173 : vector<1024x32xbf16> to vector<1024x32xf32>
      %sub3A_175 = arith.subf %get3A_172, %convert_element_type3A_174 : vector<1024x32xf32>
      %convert_element_type3A_176 = arith.truncf %sub3A_175 : vector<1024x32xf32> to vector<1024x32xbf16>
      %convert_element_type3A_177 = arith.extf %convert_element_type3A_173 : vector<1024x32xbf16> to vector<1024x32xf32>
      %sub3A_178 = arith.subf %get3A_172, %convert_element_type3A_177 : vector<1024x32xf32>
      %convert_element_type3A_179 = arith.extf %convert_element_type3A_176 : vector<1024x32xbf16> to vector<1024x32xf32>
      %sub3A_180 = arith.subf %sub3A_178, %convert_element_type3A_179 : vector<1024x32xf32>
      %convert_element_type3A_181 = arith.truncf %sub3A_180 : vector<1024x32xf32> to vector<1024x32xbf16>
      %mul3A_182 = arith.mulf %get3A_172, %get3A_172 : vector<1024x32xf32>
      %reduce_sum3A_183 = arith.constant dense<0.000000e+00> : vector<1024xf32>
      %reduce_sum3A_184 = vector.multi_reduction <add>, %mul3A_182, %reduce_sum3A_183 [1] : vector<1024x32xf32> to vector<1024xf32>
      %broadcast_in_dim3A_185 = vector.shape_cast %reduce_sum3A_184 : vector<1024xf32> to vector<1024x1xf32>
      %convert_element_type3A_186 = arith.truncf %broadcast_in_dim3A_185 : vector<1024x1xf32> to vector<1024x1xbf16>
      %convert_element_type3A_187 = arith.extf %convert_element_type3A_186 : vector<1024x1xbf16> to vector<1024x1xf32>
      %sub3A_188 = arith.subf %broadcast_in_dim3A_185, %convert_element_type3A_187 : vector<1024x1xf32>
      %convert_element_type3A_189 = arith.truncf %sub3A_188 : vector<1024x1xf32> to vector<1024x1xbf16>
      %convert_element_type3A_190 = arith.extf %convert_element_type3A_186 : vector<1024x1xbf16> to vector<1024x1xf32>
      %sub3A_191 = arith.subf %broadcast_in_dim3A_185, %convert_element_type3A_190 : vector<1024x1xf32>
      %convert_element_type3A_192 = arith.extf %convert_element_type3A_189 : vector<1024x1xbf16> to vector<1024x1xf32>
      %sub3A_193 = arith.subf %sub3A_191, %convert_element_type3A_192 : vector<1024x1xf32>
      %convert_element_type3A_194 = arith.truncf %sub3A_193 : vector<1024x1xf32> to vector<1024x1xbf16>
      %concatenate3A_195 = tpu.concatenate %convert_element_type3A_173, %convert_element_type3A_173, %convert_element_type3A_176, %convert_element_type3A_176, %convert_element_type3A_173, %convert_element_type3A_181, %convert_element_type3A_186, %convert_element_type3A_189, %convert_element_type3A_194 in 1 : vector<1024x32xbf16>, vector<1024x32xbf16>, vector<1024x32xbf16>, vector<1024x32xbf16>, vector<1024x32xbf16>, vector<1024x32xbf16>, vector<1024x1xbf16>, vector<1024x1xbf16>, vector<1024x1xbf16> -> vector<1024x195xbf16>
      %swap3A_196 = arith.constant 1 : index
      %swap3A_197 = arith.constant 0 : index
      %swap3A_198 = arith.constant 0 : index
      %swap3A_199 = vector.load %arg4[%swap3A_196, %swap3A_197, %swap3A_198] : memref<8x1024x195xbf16, #tpu.memory_space<vmem>>, vector<1x1024x195xbf16>
      %swap3A_200 = vector.shape_cast %swap3A_199 : vector<1x1024x195xbf16> to vector<1024x195xbf16>
      %swap3A_201 = vector.shape_cast %concatenate3A_195 : vector<1024x195xbf16> to vector<1x1024x195xbf16>
      tpu.vector_store %arg4[%swap3A_196, %swap3A_197, %swap3A_198], %swap3A_201 {strides = array<i32>} : memref<8x1024x195xbf16, #tpu.memory_space<vmem>>, vector<1x1024x195xbf16>,
      %get3A_202 = arith.constant 2 : index
      %get3A_203 = arith.constant 0 : index
      %get3A_204 = arith.constant 0 : index
      %get3A_205 = vector.load %arg2[%get3A_202, %get3A_203, %get3A_204] : memref<8x1024x32xf32, #tpu.memory_space<vmem>>, vector<1x1024x32xf32>
      %get3A_206 = vector.shape_cast %get3A_205 : vector<1x1024x32xf32> to vector<1024x32xf32>
      %convert_element_type3A_207 = arith.truncf %get3A_206 : vector<1024x32xf32> to vector<1024x32xbf16>
      %convert_element_type3A_208 = arith.extf %convert_element_type3A_207 : vector<1024x32xbf16> to vector<1024x32xf32>
      %sub3A_209 = arith.subf %get3A_206, %convert_element_type3A_208 : vector<1024x32xf32>
      %convert_element_type3A_210 = arith.truncf %sub3A_209 : vector<1024x32xf32> to vector<1024x32xbf16>
      %convert_element_type3A_211 = arith.extf %convert_element_type3A_207 : vector<1024x32xbf16> to vector<1024x32xf32>
      %sub3A_212 = arith.subf %get3A_206, %convert_element_type3A_211 : vector<1024x32xf32>
      %convert_element_type3A_213 = arith.extf %convert_element_type3A_210 : vector<1024x32xbf16> to vector<1024x32xf32>
      %sub3A_214 = arith.subf %sub3A_212, %convert_element_type3A_213 : vector<1024x32xf32>
      %convert_element_type3A_215 = arith.truncf %sub3A_214 : vector<1024x32xf32> to vector<1024x32xbf16>
      %mul3A_216 = arith.mulf %get3A_206, %get3A_206 : vector<1024x32xf32>
      %reduce_sum3A_217 = arith.constant dense<0.000000e+00> : vector<1024xf32>
      %reduce_sum3A_218 = vector.multi_reduction <add>, %mul3A_216, %reduce_sum3A_217 [1] : vector<1024x32xf32> to vector<1024xf32>
      %broadcast_in_dim3A_219 = vector.shape_cast %reduce_sum3A_218 : vector<1024xf32> to vector<1024x1xf32>
      %convert_element_type3A_220 = arith.truncf %broadcast_in_dim3A_219 : vector<1024x1xf32> to vector<1024x1xbf16>
      %convert_element_type3A_221 = arith.extf %convert_element_type3A_220 : vector<1024x1xbf16> to vector<1024x1xf32>
      %sub3A_222 = arith.subf %broadcast_in_dim3A_219, %convert_element_type3A_221 : vector<1024x1xf32>
      %convert_element_type3A_223 = arith.truncf %sub3A_222 : vector<1024x1xf32> to vector<1024x1xbf16>
      %convert_element_type3A_224 = arith.extf %convert_element_type3A_220 : vector<1024x1xbf16> to vector<1024x1xf32>
      %sub3A_225 = arith.subf %broadcast_in_dim3A_219, %convert_element_type3A_224 : vector<1024x1xf32>
      %convert_element_type3A_226 = arith.extf %convert_element_type3A_223 : vector<1024x1xbf16> to vector<1024x1xf32>
      %sub3A_227 = arith.subf %sub3A_225, %convert_element_type3A_226 : vector<1024x1xf32>
      %convert_element_type3A_228 = arith.truncf %sub3A_227 : vector<1024x1xf32> to vector<1024x1xbf16>
      %concatenate3A_229 = tpu.concatenate %convert_element_type3A_207, %convert_element_type3A_207, %convert_element_type3A_210, %convert_element_type3A_210, %convert_element_type3A_207, %convert_element_type3A_215, %convert_element_type3A_220, %convert_element_type3A_223, %convert_element_type3A_228 in 1 : vector<1024x32xbf16>, vector<1024x32xbf16>, vector<1024x32xbf16>, vector<1024x32xbf16>, vector<1024x32xbf16>, vector<1024x32xbf16>, vector<1024x1xbf16>, vector<1024x1xbf16>, vector<1024x1xbf16> -> vector<1024x195xbf16>
      %swap3A_230 = arith.constant 2 : index
      %swap3A_231 = arith.constant 0 : index
      %swap3A_232 = arith.constant 0 : index
      %swap3A_233 = vector.load %arg4[%swap3A_230, %swap3A_231, %swap3A_232] : memref<8x1024x195xbf16, #tpu.memory_space<vmem>>, vector<1x1024x195xbf16>
      %swap3A_234 = vector.shape_cast %swap3A_233 : vector<1x1024x195xbf16> to vector<1024x195xbf16>
      %swap3A_235 = vector.shape_cast %concatenate3A_229 : vector<1024x195xbf16> to vector<1x1024x195xbf16>
      tpu.vector_store %arg4[%swap3A_230, %swap3A_231, %swap3A_232], %swap3A_235 {strides = array<i32>} : memref<8x1024x195xbf16, #tpu.memory_space<vmem>>, vector<1x1024x195xbf16>,
      %get3A_236 = arith.constant 3 : index
      %get3A_237 = arith.constant 0 : index
      %get3A_238 = arith.constant 0 : index
      %get3A_239 = vector.load %arg2[%get3A_236, %get3A_237, %get3A_238] : memref<8x1024x32xf32, #tpu.memory_space<vmem>>, vector<1x1024x32xf32>
      %get3A_240 = vector.shape_cast %get3A_239 : vector<1x1024x32xf32> to vector<1024x32xf32>
      %convert_element_type3A_241 = arith.truncf %get3A_240 : vector<1024x32xf32> to vector<1024x32xbf16>
      %convert_element_type3A_242 = arith.extf %convert_element_type3A_241 : vector<1024x32xbf16> to vector<1024x32xf32>
      %sub3A_243 = arith.subf %get3A_240, %convert_element_type3A_242 : vector<1024x32xf32>
      %convert_element_type3A_244 = arith.truncf %sub3A_243 : vector<1024x32xf32> to vector<1024x32xbf16>
      %convert_element_type3A_245 = arith.extf %convert_element_type3A_241 : vector<1024x32xbf16> to vector<1024x32xf32>
      %sub3A_246 = arith.subf %get3A_240, %convert_element_type3A_245 : vector<1024x32xf32>
      %convert_element_type3A_247 = arith.extf %convert_element_type3A_244 : vector<1024x32xbf16> to vector<1024x32xf32>
      %sub3A_248 = arith.subf %sub3A_246, %convert_element_type3A_247 : vector<1024x32xf32>
      %convert_element_type3A_249 = arith.truncf %sub3A_248 : vector<1024x32xf32> to vector<1024x32xbf16>
      %mul3A_250 = arith.mulf %get3A_240, %get3A_240 : vector<1024x32xf32>
      %reduce_sum3A_251 = arith.constant dense<0.000000e+00> : vector<1024xf32>
      %reduce_sum3A_252 = vector.multi_reduction <add>, %mul3A_250, %reduce_sum3A_251 [1] : vector<1024x32xf32> to vector<1024xf32>
      %broadcast_in_dim3A_253 = vector.shape_cast %reduce_sum3A_252 : vector<1024xf32> to vector<1024x1xf32>
      %convert_element_type3A_254 = arith.truncf %broadcast_in_dim3A_253 : vector<1024x1xf32> to vector<1024x1xbf16>
      %convert_element_type3A_255 = arith.extf %convert_element_type3A_254 : vector<1024x1xbf16> to vector<1024x1xf32>
      %sub3A_256 = arith.subf %broadcast_in_dim3A_253, %convert_element_type3A_255 : vector<1024x1xf32>
      %convert_element_type3A_257 = arith.truncf %sub3A_256 : vector<1024x1xf32> to vector<1024x1xbf16>
      %convert_element_type3A_258 = arith.extf %convert_element_type3A_254 : vector<1024x1xbf16> to vector<1024x1xf32>
      %sub3A_259 = arith.subf %broadcast_in_dim3A_253, %convert_element_type3A_258 : vector<1024x1xf32>
      %convert_element_type3A_260 = arith.extf %convert_element_type3A_257 : vector<1024x1xbf16> to vector<1024x1xf32>
      %sub3A_261 = arith.subf %sub3A_259, %convert_element_type3A_260 : vector<1024x1xf32>
      %convert_element_type3A_262 = arith.truncf %sub3A_261 : vector<1024x1xf32> to vector<1024x1xbf16>
      %concatenate3A_263 = tpu.concatenate %convert_element_type3A_241, %convert_element_type3A_241, %convert_element_type3A_244, %convert_element_type3A_244, %convert_element_type3A_241, %convert_element_type3A_249, %convert_element_type3A_254, %convert_element_type3A_257, %convert_element_type3A_262 in 1 : vector<1024x32xbf16>, vector<1024x32xbf16>, vector<1024x32xbf16>, vector<1024x32xbf16>, vector<1024x32xbf16>, vector<1024x32xbf16>, vector<1024x1xbf16>, vector<1024x1xbf16>, vector<1024x1xbf16> -> vector<1024x195xbf16>
      %swap3A_264 = arith.constant 3 : index
      %swap3A_265 = arith.constant 0 : index
      %swap3A_266 = arith.constant 0 : index
      %swap3A_267 = vector.load %arg4[%swap3A_264, %swap3A_265, %swap3A_266] : memref<8x1024x195xbf16, #tpu.memory_space<vmem>>, vector<1x1024x195xbf16>
      %swap3A_268 = vector.shape_cast %swap3A_267 : vector<1x1024x195xbf16> to vector<1024x195xbf16>
      %swap3A_269 = vector.shape_cast %concatenate3A_263 : vector<1024x195xbf16> to vector<1x1024x195xbf16>
      tpu.vector_store %arg4[%swap3A_264, %swap3A_265, %swap3A_266], %swap3A_269 {strides = array<i32>} : memref<8x1024x195xbf16, #tpu.memory_space<vmem>>, vector<1x1024x195xbf16>,
      %get3A_270 = arith.constant 4 : index
      %get3A_271 = arith.constant 0 : index
      %get3A_272 = arith.constant 0 : index
      %get3A_273 = vector.load %arg2[%get3A_270, %get3A_271, %get3A_272] : memref<8x1024x32xf32, #tpu.memory_space<vmem>>, vector<1x1024x32xf32>
      %get3A_274 = vector.shape_cast %get3A_273 : vector<1x1024x32xf32> to vector<1024x32xf32>
      %convert_element_type3A_275 = arith.truncf %get3A_274 : vector<1024x32xf32> to vector<1024x32xbf16>
      %convert_element_type3A_276 = arith.extf %convert_element_type3A_275 : vector<1024x32xbf16> to vector<1024x32xf32>
      %sub3A_277 = arith.subf %get3A_274, %convert_element_type3A_276 : vector<1024x32xf32>
      %convert_element_type3A_278 = arith.truncf %sub3A_277 : vector<1024x32xf32> to vector<1024x32xbf16>
      %convert_element_type3A_279 = arith.extf %convert_element_type3A_275 : vector<1024x32xbf16> to vector<1024x32xf32>
      %sub3A_280 = arith.subf %get3A_274, %convert_element_type3A_279 : vector<1024x32xf32>
      %convert_element_type3A_281 = arith.extf %convert_element_type3A_278 : vector<1024x32xbf16> to vector<1024x32xf32>
      %sub3A_282 = arith.subf %sub3A_280, %convert_element_type3A_281 : vector<1024x32xf32>
      %convert_element_type3A_283 = arith.truncf %sub3A_282 : vector<1024x32xf32> to vector<1024x32xbf16>
      %mul3A_284 = arith.mulf %get3A_274, %get3A_274 : vector<1024x32xf32>
      %reduce_sum3A_285 = arith.constant dense<0.000000e+00> : vector<1024xf32>
      %reduce_sum3A_286 = vector.multi_reduction <add>, %mul3A_284, %reduce_sum3A_285 [1] : vector<1024x32xf32> to vector<1024xf32>
      %broadcast_in_dim3A_287 = vector.shape_cast %reduce_sum3A_286 : vector<1024xf32> to vector<1024x1xf32>
      %convert_element_type3A_288 = arith.truncf %broadcast_in_dim3A_287 : vector<1024x1xf32> to vector<1024x1xbf16>
      %convert_element_type3A_289 = arith.extf %convert_element_type3A_288 : vector<1024x1xbf16> to vector<1024x1xf32>
      %sub3A_290 = arith.subf %broadcast_in_dim3A_287, %convert_element_type3A_289 : vector<1024x1xf32>
      %convert_element_type3A_291 = arith.truncf %sub3A_290 : vector<1024x1xf32> to vector<1024x1xbf16>
      %convert_element_type3A_292 = arith.extf %convert_element_type3A_288 : vector<1024x1xbf16> to vector<1024x1xf32>
      %sub3A_293 = arith.subf %broadcast_in_dim3A_287, %convert_element_type3A_292 : vector<1024x1xf32>
      %convert_element_type3A_294 = arith.extf %convert_element_type3A_291 : vector<1024x1xbf16> to vector<1024x1xf32>
      %sub3A_295 = arith.subf %sub3A_293, %convert_element_type3A_294 : vector<1024x1xf32>
      %convert_element_type3A_296 = arith.truncf %sub3A_295 : vector<1024x1xf32> to vector<1024x1xbf16>
      %concatenate3A_297 = tpu.concatenate %convert_element_type3A_275, %convert_element_type3A_275, %convert_element_type3A_278, %convert_element_type3A_278, %convert_element_type3A_275, %convert_element_type3A_283, %convert_element_type3A_288, %convert_element_type3A_291, %convert_element_type3A_296 in 1 : vector<1024x32xbf16>, vector<1024x32xbf16>, vector<1024x32xbf16>, vector<1024x32xbf16>, vector<1024x32xbf16>, vector<1024x32xbf16>, vector<1024x1xbf16>, vector<1024x1xbf16>, vector<1024x1xbf16> -> vector<1024x195xbf16>
      %swap3A_298 = arith.constant 4 : index
      %swap3A_299 = arith.constant 0 : index
      %swap3A_300 = arith.constant 0 : index
      %swap3A_301 = vector.load %arg4[%swap3A_298, %swap3A_299, %swap3A_300] : memref<8x1024x195xbf16, #tpu.memory_space<vmem>>, vector<1x1024x195xbf16>
      %swap3A_302 = vector.shape_cast %swap3A_301 : vector<1x1024x195xbf16> to vector<1024x195xbf16>
      %swap3A_303 = vector.shape_cast %concatenate3A_297 : vector<1024x195xbf16> to vector<1x1024x195xbf16>
      tpu.vector_store %arg4[%swap3A_298, %swap3A_299, %swap3A_300], %swap3A_303 {strides = array<i32>} : memref<8x1024x195xbf16, #tpu.memory_space<vmem>>, vector<1x1024x195xbf16>,
      %get3A_304 = arith.constant 5 : index
      %get3A_305 = arith.constant 0 : index
      %get3A_306 = arith.constant 0 : index
      %get3A_307 = vector.load %arg2[%get3A_304, %get3A_305, %get3A_306] : memref<8x1024x32xf32, #tpu.memory_space<vmem>>, vector<1x1024x32xf32>
      %get3A_308 = vector.shape_cast %get3A_307 : vector<1x1024x32xf32> to vector<1024x32xf32>
      %convert_element_type3A_309 = arith.truncf %get3A_308 : vector<1024x32xf32> to vector<1024x32xbf16>
      %convert_element_type3A_310 = arith.extf %convert_element_type3A_309 : vector<1024x32xbf16> to vector<1024x32xf32>
      %sub3A_311 = arith.subf %get3A_308, %convert_element_type3A_310 : vector<1024x32xf32>
      %convert_element_type3A_312 = arith.truncf %sub3A_311 : vector<1024x32xf32> to vector<1024x32xbf16>
      %convert_element_type3A_313 = arith.extf %convert_element_type3A_309 : vector<1024x32xbf16> to vector<1024x32xf32>
      %sub3A_314 = arith.subf %get3A_308, %convert_element_type3A_313 : vector<1024x32xf32>
      %convert_element_type3A_315 = arith.extf %convert_element_type3A_312 : vector<1024x32xbf16> to vector<1024x32xf32>
      %sub3A_316 = arith.subf %sub3A_314, %convert_element_type3A_315 : vector<1024x32xf32>
      %convert_element_type3A_317 = arith.truncf %sub3A_316 : vector<1024x32xf32> to vector<1024x32xbf16>
      %mul3A_318 = arith.mulf %get3A_308, %get3A_308 : vector<1024x32xf32>
      %reduce_sum3A_319 = arith.constant dense<0.000000e+00> : vector<1024xf32>
      %reduce_sum3A_320 = vector.multi_reduction <add>, %mul3A_318, %reduce_sum3A_319 [1] : vector<1024x32xf32> to vector<1024xf32>
      %broadcast_in_dim3A_321 = vector.shape_cast %reduce_sum3A_320 : vector<1024xf32> to vector<1024x1xf32>
      %convert_element_type3A_322 = arith.truncf %broadcast_in_dim3A_321 : vector<1024x1xf32> to vector<1024x1xbf16>
      %convert_element_type3A_323 = arith.extf %convert_element_type3A_322 : vector<1024x1xbf16> to vector<1024x1xf32>
      %sub3A_324 = arith.subf %broadcast_in_dim3A_321, %convert_element_type3A_323 : vector<1024x1xf32>
      %convert_element_type3A_325 = arith.truncf %sub3A_324 : vector<1024x1xf32> to vector<1024x1xbf16>
      %convert_element_type3A_326 = arith.extf %convert_element_type3A_322 : vector<1024x1xbf16> to vector<1024x1xf32>
      %sub3A_327 = arith.subf %broadcast_in_dim3A_321, %convert_element_type3A_326 : vector<1024x1xf32>
      %convert_element_type3A_328 = arith.extf %convert_element_type3A_325 : vector<1024x1xbf16> to vector<1024x1xf32>
      %sub3A_329 = arith.subf %sub3A_327, %convert_element_type3A_328 : vector<1024x1xf32>
      %convert_element_type3A_330 = arith.truncf %sub3A_329 : vector<1024x1xf32> to vector<1024x1xbf16>
      %concatenate3A_331 = tpu.concatenate %convert_element_type3A_309, %convert_element_type3A_309, %convert_element_type3A_312, %convert_element_type3A_312, %convert_element_type3A_309, %convert_element_type3A_317, %convert_element_type3A_322, %convert_element_type3A_325, %convert_element_type3A_330 in 1 : vector<1024x32xbf16>, vector<1024x32xbf16>, vector<1024x32xbf16>, vector<1024x32xbf16>, vector<1024x32xbf16>, vector<1024x32xbf16>, vector<1024x1xbf16>, vector<1024x1xbf16>, vector<1024x1xbf16> -> vector<1024x195xbf16>
      %swap3A_332 = arith.constant 5 : index
      %swap3A_333 = arith.constant 0 : index
      %swap3A_334 = arith.constant 0 : index
      %swap3A_335 = vector.load %arg4[%swap3A_332, %swap3A_333, %swap3A_334] : memref<8x1024x195xbf16, #tpu.memory_space<vmem>>, vector<1x1024x195xbf16>
      %swap3A_336 = vector.shape_cast %swap3A_335 : vector<1x1024x195xbf16> to vector<1024x195xbf16>
      %swap3A_337 = vector.shape_cast %concatenate3A_331 : vector<1024x195xbf16> to vector<1x1024x195xbf16>
      tpu.vector_store %arg4[%swap3A_332, %swap3A_333, %swap3A_334], %swap3A_337 {strides = array<i32>} : memref<8x1024x195xbf16, #tpu.memory_space<vmem>>, vector<1x1024x195xbf16>,
      %get3A_338 = arith.constant 6 : index
      %get3A_339 = arith.constant 0 : index
      %get3A_340 = arith.constant 0 : index
      %get3A_341 = vector.load %arg2[%get3A_338, %get3A_339, %get3A_340] : memref<8x1024x32xf32, #tpu.memory_space<vmem>>, vector<1x1024x32xf32>
      %get3A_342 = vector.shape_cast %get3A_341 : vector<1x1024x32xf32> to vector<1024x32xf32>
      %convert_element_type3A_343 = arith.truncf %get3A_342 : vector<1024x32xf32> to vector<1024x32xbf16>
      %convert_element_type3A_344 = arith.extf %convert_element_type3A_343 : vector<1024x32xbf16> to vector<1024x32xf32>
      %sub3A_345 = arith.subf %get3A_342, %convert_element_type3A_344 : vector<1024x32xf32>
      %convert_element_type3A_346 = arith.truncf %sub3A_345 : vector<1024x32xf32> to vector<1024x32xbf16>
      %convert_element_type3A_347 = arith.extf %convert_element_type3A_343 : vector<1024x32xbf16> to vector<1024x32xf32>
      %sub3A_348 = arith.subf %get3A_342, %convert_element_type3A_347 : vector<1024x32xf32>
      %convert_element_type3A_349 = arith.extf %convert_element_type3A_346 : vector<1024x32xbf16> to vector<1024x32xf32>
      %sub3A_350 = arith.subf %sub3A_348, %convert_element_type3A_349 : vector<1024x32xf32>
      %convert_element_type3A_351 = arith.truncf %sub3A_350 : vector<1024x32xf32> to vector<1024x32xbf16>
      %mul3A_352 = arith.mulf %get3A_342, %get3A_342 : vector<1024x32xf32>
      %reduce_sum3A_353 = arith.constant dense<0.000000e+00> : vector<1024xf32>
      %reduce_sum3A_354 = vector.multi_reduction <add>, %mul3A_352, %reduce_sum3A_353 [1] : vector<1024x32xf32> to vector<1024xf32>
      %broadcast_in_dim3A_355 = vector.shape_cast %reduce_sum3A_354 : vector<1024xf32> to vector<1024x1xf32>
      %convert_element_type3A_356 = arith.truncf %broadcast_in_dim3A_355 : vector<1024x1xf32> to vector<1024x1xbf16>
      %convert_element_type3A_357 = arith.extf %convert_element_type3A_356 : vector<1024x1xbf16> to vector<1024x1xf32>
      %sub3A_358 = arith.subf %broadcast_in_dim3A_355, %convert_element_type3A_357 : vector<1024x1xf32>
      %convert_element_type3A_359 = arith.truncf %sub3A_358 : vector<1024x1xf32> to vector<1024x1xbf16>
      %convert_element_type3A_360 = arith.extf %convert_element_type3A_356 : vector<1024x1xbf16> to vector<1024x1xf32>
      %sub3A_361 = arith.subf %broadcast_in_dim3A_355, %convert_element_type3A_360 : vector<1024x1xf32>
      %convert_element_type3A_362 = arith.extf %convert_element_type3A_359 : vector<1024x1xbf16> to vector<1024x1xf32>
      %sub3A_363 = arith.subf %sub3A_361, %convert_element_type3A_362 : vector<1024x1xf32>
      %convert_element_type3A_364 = arith.truncf %sub3A_363 : vector<1024x1xf32> to vector<1024x1xbf16>
      %concatenate3A_365 = tpu.concatenate %convert_element_type3A_343, %convert_element_type3A_343, %convert_element_type3A_346, %convert_element_type3A_346, %convert_element_type3A_343, %convert_element_type3A_351, %convert_element_type3A_356, %convert_element_type3A_359, %convert_element_type3A_364 in 1 : vector<1024x32xbf16>, vector<1024x32xbf16>, vector<1024x32xbf16>, vector<1024x32xbf16>, vector<1024x32xbf16>, vector<1024x32xbf16>, vector<1024x1xbf16>, vector<1024x1xbf16>, vector<1024x1xbf16> -> vector<1024x195xbf16>
      %swap3A_366 = arith.constant 6 : index
      %swap3A_367 = arith.constant 0 : index
      %swap3A_368 = arith.constant 0 : index
      %swap3A_369 = vector.load %arg4[%swap3A_366, %swap3A_367, %swap3A_368] : memref<8x1024x195xbf16, #tpu.memory_space<vmem>>, vector<1x1024x195xbf16>
      %swap3A_370 = vector.shape_cast %swap3A_369 : vector<1x1024x195xbf16> to vector<1024x195xbf16>
      %swap3A_371 = vector.shape_cast %concatenate3A_365 : vector<1024x195xbf16> to vector<1x1024x195xbf16>
      tpu.vector_store %arg4[%swap3A_366, %swap3A_367, %swap3A_368], %swap3A_371 {strides = array<i32>} : memref<8x1024x195xbf16, #tpu.memory_space<vmem>>, vector<1x1024x195xbf16>,
      %get3A_372 = arith.constant 7 : index
      %get3A_373 = arith.constant 0 : index
      %get3A_374 = arith.constant 0 : index
      %get3A_375 = vector.load %arg2[%get3A_372, %get3A_373, %get3A_374] : memref<8x1024x32xf32, #tpu.memory_space<vmem>>, vector<1x1024x32xf32>
      %get3A_376 = vector.shape_cast %get3A_375 : vector<1x1024x32xf32> to vector<1024x32xf32>
      %convert_element_type3A_377 = arith.truncf %get3A_376 : vector<1024x32xf32> to vector<1024x32xbf16>
      %convert_element_type3A_378 = arith.extf %convert_element_type3A_377 : vector<1024x32xbf16> to vector<1024x32xf32>
      %sub3A_379 = arith.subf %get3A_376, %convert_element_type3A_378 : vector<1024x32xf32>
      %convert_element_type3A_380 = arith.truncf %sub3A_379 : vector<1024x32xf32> to vector<1024x32xbf16>
      %convert_element_type3A_381 = arith.extf %convert_element_type3A_377 : vector<1024x32xbf16> to vector<1024x32xf32>
      %sub3A_382 = arith.subf %get3A_376, %convert_element_type3A_381 : vector<1024x32xf32>
      %convert_element_type3A_383 = arith.extf %convert_element_type3A_380 : vector<1024x32xbf16> to vector<1024x32xf32>
      %sub3A_384 = arith.subf %sub3A_382, %convert_element_type3A_383 : vector<1024x32xf32>
      %convert_element_type3A_385 = arith.truncf %sub3A_384 : vector<1024x32xf32> to vector<1024x32xbf16>
      %mul3A_386 = arith.mulf %get3A_376, %get3A_376 : vector<1024x32xf32>
      %reduce_sum3A_387 = arith.constant dense<0.000000e+00> : vector<1024xf32>
      %reduce_sum3A_388 = vector.multi_reduction <add>, %mul3A_386, %reduce_sum3A_387 [1] : vector<1024x32xf32> to vector<1024xf32>
      %broadcast_in_dim3A_389 = vector.shape_cast %reduce_sum3A_388 : vector<1024xf32> to vector<1024x1xf32>
      %convert_element_type3A_390 = arith.truncf %broadcast_in_dim3A_389 : vector<1024x1xf32> to vector<1024x1xbf16>
      %convert_element_type3A_391 = arith.extf %convert_element_type3A_390 : vector<1024x1xbf16> to vector<1024x1xf32>
      %sub3A_392 = arith.subf %broadcast_in_dim3A_389, %convert_element_type3A_391 : vector<1024x1xf32>
      %convert_element_type3A_393 = arith.truncf %sub3A_392 : vector<1024x1xf32> to vector<1024x1xbf16>
      %convert_element_type3A_394 = arith.extf %convert_element_type3A_390 : vector<1024x1xbf16> to vector<1024x1xf32>
      %sub3A_395 = arith.subf %broadcast_in_dim3A_389, %convert_element_type3A_394 : vector<1024x1xf32>
      %convert_element_type3A_396 = arith.extf %convert_element_type3A_393 : vector<1024x1xbf16> to vector<1024x1xf32>
      %sub3A_397 = arith.subf %sub3A_395, %convert_element_type3A_396 : vector<1024x1xf32>
      %convert_element_type3A_398 = arith.truncf %sub3A_397 : vector<1024x1xf32> to vector<1024x1xbf16>
      %concatenate3A_399 = tpu.concatenate %convert_element_type3A_377, %convert_element_type3A_377, %convert_element_type3A_380, %convert_element_type3A_380, %convert_element_type3A_377, %convert_element_type3A_385, %convert_element_type3A_390, %convert_element_type3A_393, %convert_element_type3A_398 in 1 : vector<1024x32xbf16>, vector<1024x32xbf16>, vector<1024x32xbf16>, vector<1024x32xbf16>, vector<1024x32xbf16>, vector<1024x32xbf16>, vector<1024x1xbf16>, vector<1024x1xbf16>, vector<1024x1xbf16> -> vector<1024x195xbf16>
      %swap3A_400 = arith.constant 7 : index
      %swap3A_401 = arith.constant 0 : index
      %swap3A_402 = arith.constant 0 : index
      %swap3A_403 = vector.load %arg4[%swap3A_400, %swap3A_401, %swap3A_402] : memref<8x1024x195xbf16, #tpu.memory_space<vmem>>, vector<1x1024x195xbf16>
      %swap3A_404 = vector.shape_cast %swap3A_403 : vector<1x1024x195xbf16> to vector<1024x195xbf16>
      %swap3A_405 = vector.shape_cast %concatenate3A_399 : vector<1024x195xbf16> to vector<1x1024x195xbf16>
      tpu.vector_store %arg4[%swap3A_400, %swap3A_401, %swap3A_402], %swap3A_405 {strides = array<i32>} : memref<8x1024x195xbf16, #tpu.memory_space<vmem>>, vector<1x1024x195xbf16>,
    } else {
    }
    %get3A = arith.constant 0 : index
    %get3A_2 = arith.constant 0 : index
    %get3A_3 = arith.constant 0 : index
    %get3A_4 = vector.load %arg1[%get3A, %get3A_2, %get3A_3] : memref<1x224x256xf32, #tpu.memory_space<vmem>>, vector<1x224x256xf32>
    %get3A_5 = vector.shape_cast %get3A_4 : vector<1x224x256xf32> to vector<224x256xf32>
    %convert_element_type3A_6 = arith.truncf %get3A_5 : vector<224x256xf32> to vector<224x256xbf16>
    %convert_element_type3A_7 = arith.extf %convert_element_type3A_6 : vector<224x256xbf16> to vector<224x256xf32>
    %sub3A = arith.subf %get3A_5, %convert_element_type3A_7 : vector<224x256xf32>
    %convert_element_type3A_8 = arith.truncf %sub3A : vector<224x256xf32> to vector<224x256xbf16>
    %convert_element_type3A_9 = arith.extf %convert_element_type3A_6 : vector<224x256xbf16> to vector<224x256xf32>
    %sub3A_10 = arith.subf %get3A_5, %convert_element_type3A_9 : vector<224x256xf32>
    %convert_element_type3A_11 = arith.extf %convert_element_type3A_8 : vector<224x256xbf16> to vector<224x256xf32>
    %sub3A_12 = arith.subf %sub3A_10, %convert_element_type3A_11 : vector<224x256xf32>
    %convert_element_type3A_13 = arith.truncf %sub3A_12 : vector<224x256xf32> to vector<224x256xbf16>
    %broadcast_in_dim3A = arith.constant -5.000000e-01 : bf16
    %broadcast_in_dim3A_14 = vector.broadcast %broadcast_in_dim3A : bf16 to vector<224x3xbf16>
    %slice3A = vector.extract_strided_slice %convert_element_type3A_6 {offsets = [0, 0], sizes = [224, 32], strides = [1, 1]} : vector<224x256xbf16> to vector<224x32xbf16>
    %slice3A_15 = vector.extract_strided_slice %convert_element_type3A_8 {offsets = [0, 0], sizes = [224, 32], strides = [1, 1]} : vector<224x256xbf16> to vector<224x32xbf16>
    %concatenate3A = tpu.concatenate %slice3A, %slice3A_15 in 1 : vector<224x32xbf16>, vector<224x32xbf16> -> vector<224x64xbf16>
    %slice3A_16 = vector.extract_strided_slice %convert_element_type3A_13 {offsets = [0, 0], sizes = [224, 32], strides = [1, 1]} : vector<224x256xbf16> to vector<224x32xbf16>
    %slice3A_17 = vector.extract_strided_slice %convert_element_type3A_6 {offsets = [0, 0], sizes = [224, 32], strides = [1, 1]} : vector<224x256xbf16> to vector<224x32xbf16>
    %concatenate3A_18 = tpu.concatenate %concatenate3A, %concatenate3A, %slice3A_16, %slice3A_17, %broadcast_in_dim3A_14 in 1 : vector<224x64xbf16>, vector<224x64xbf16>, vector<224x32xbf16>, vector<224x32xbf16>, vector<224x3xbf16> -> vector<224x195xbf16>
    %get3A_19 = arith.constant 0 : index
    %get3A_20 = arith.constant 0 : index
    %get3A_21 = arith.constant 0 : index
    %get3A_22 = vector.load %arg4[%get3A_19, %get3A_20, %get3A_21] : memref<8x1024x195xbf16, #tpu.memory_space<vmem>>, vector<1x1024x195xbf16>
    %get3A_23 = vector.shape_cast %get3A_22 : vector<1x1024x195xbf16> to vector<1024x195xbf16>
    %dot_general3A = arith.constant dense<0.000000e+00> : vector<1024x224xf32>
    %dot_general3A_24 = tpu.matmul %get3A_23, %concatenate3A_18, %dot_general3A {dimension_numbers = #tpu.dot_dimension_numbers<[1], [1], [0], [0], [0, 0, 1, 0], [], []>, transpose_lhs_hint = false} : vector<1024x195xbf16>, vector<224x195xbf16>, vector<1024x224xf32> -> vector<1024x224xf32>
    %argmax3A = tpu.reduce_index %dot_general3A_24 {axis = 0 : i32, kind = #tpu.reduction_kind<arg_max>} : vector<1024x224xf32> -> vector<224xi32>
    %slice3A_25 = vector.extract_strided_slice %convert_element_type3A_6 {offsets = [0, 32], sizes = [224, 32], strides = [1, 1]} : vector<224x256xbf16> to vector<224x32xbf16>
    %slice3A_26 = vector.extract_strided_slice %convert_element_type3A_8 {offsets = [0, 32], sizes = [224, 32], strides = [1, 1]} : vector<224x256xbf16> to vector<224x32xbf16>
    %concatenate3A_27 = tpu.concatenate %slice3A_25, %slice3A_26 in 1 : vector<224x32xbf16>, vector<224x32xbf16> -> vector<224x64xbf16>
    %slice3A_28 = vector.extract_strided_slice %convert_element_type3A_13 {offsets = [0, 32], sizes = [224, 32], strides = [1, 1]} : vector<224x256xbf16> to vector<224x32xbf16>
    %slice3A_29 = vector.extract_strided_slice %convert_element_type3A_6 {offsets = [0, 32], sizes = [224, 32], strides = [1, 1]} : vector<224x256xbf16> to vector<224x32xbf16>
    %concatenate3A_30 = tpu.concatenate %concatenate3A_27, %concatenate3A_27, %slice3A_28, %slice3A_29, %broadcast_in_dim3A_14 in 1 : vector<224x64xbf16>, vector<224x64xbf16>, vector<224x32xbf16>, vector<224x32xbf16>, vector<224x3xbf16> -> vector<224x195xbf16>
    %get3A_31 = arith.constant 1 : index
    %get3A_32 = arith.constant 0 : index
    %get3A_33 = arith.constant 0 : index
    %get3A_34 = vector.load %arg4[%get3A_31, %get3A_32, %get3A_33] : memref<8x1024x195xbf16, #tpu.memory_space<vmem>>, vector<1x1024x195xbf16>
    %get3A_35 = vector.shape_cast %get3A_34 : vector<1x1024x195xbf16> to vector<1024x195xbf16>
    %dot_general3A_36 = arith.constant dense<0.000000e+00> : vector<1024x224xf32>
    %dot_general3A_37 = tpu.matmul %get3A_35, %concatenate3A_30, %dot_general3A_36 {dimension_numbers = #tpu.dot_dimension_numbers<[1], [1], [0], [0], [0, 0, 1, 0], [], []>, transpose_lhs_hint = false} : vector<1024x195xbf16>, vector<224x195xbf16>, vector<1024x224xf32> -> vector<1024x224xf32>
    %argmax3A_38 = tpu.reduce_index %dot_general3A_37 {axis = 0 : i32, kind = #tpu.reduction_kind<arg_max>} : vector<1024x224xf32> -> vector<224xi32>
    %slice3A_39 = vector.extract_strided_slice %convert_element_type3A_6 {offsets = [0, 64], sizes = [224, 32], strides = [1, 1]} : vector<224x256xbf16> to vector<224x32xbf16>
    %slice3A_40 = vector.extract_strided_slice %convert_element_type3A_8 {offsets = [0, 64], sizes = [224, 32], strides = [1, 1]} : vector<224x256xbf16> to vector<224x32xbf16>
    %concatenate3A_41 = tpu.concatenate %slice3A_39, %slice3A_40 in 1 : vector<224x32xbf16>, vector<224x32xbf16> -> vector<224x64xbf16>
    %slice3A_42 = vector.extract_strided_slice %convert_element_type3A_13 {offsets = [0, 64], sizes = [224, 32], strides = [1, 1]} : vector<224x256xbf16> to vector<224x32xbf16>
    %slice3A_43 = vector.extract_strided_slice %convert_element_type3A_6 {offsets = [0, 64], sizes = [224, 32], strides = [1, 1]} : vector<224x256xbf16> to vector<224x32xbf16>
    %concatenate3A_44 = tpu.concatenate %concatenate3A_41, %concatenate3A_41, %slice3A_42, %slice3A_43, %broadcast_in_dim3A_14 in 1 : vector<224x64xbf16>, vector<224x64xbf16>, vector<224x32xbf16>, vector<224x32xbf16>, vector<224x3xbf16> -> vector<224x195xbf16>
    %get3A_45 = arith.constant 2 : index
    %get3A_46 = arith.constant 0 : index
    %get3A_47 = arith.constant 0 : index
    %get3A_48 = vector.load %arg4[%get3A_45, %get3A_46, %get3A_47] : memref<8x1024x195xbf16, #tpu.memory_space<vmem>>, vector<1x1024x195xbf16>
    %get3A_49 = vector.shape_cast %get3A_48 : vector<1x1024x195xbf16> to vector<1024x195xbf16>
    %dot_general3A_50 = arith.constant dense<0.000000e+00> : vector<1024x224xf32>
    %dot_general3A_51 = tpu.matmul %get3A_49, %concatenate3A_44, %dot_general3A_50 {dimension_numbers = #tpu.dot_dimension_numbers<[1], [1], [0], [0], [0, 0, 1, 0], [], []>, transpose_lhs_hint = false} : vector<1024x195xbf16>, vector<224x195xbf16>, vector<1024x224xf32> -> vector<1024x224xf32>
    %argmax3A_52 = tpu.reduce_index %dot_general3A_51 {axis = 0 : i32, kind = #tpu.reduction_kind<arg_max>} : vector<1024x224xf32> -> vector<224xi32>
    %slice3A_53 = vector.extract_strided_slice %convert_element_type3A_6 {offsets = [0, 96], sizes = [224, 32], strides = [1, 1]} : vector<224x256xbf16> to vector<224x32xbf16>
    %slice3A_54 = vector.extract_strided_slice %convert_element_type3A_8 {offsets = [0, 96], sizes = [224, 32], strides = [1, 1]} : vector<224x256xbf16> to vector<224x32xbf16>
    %concatenate3A_55 = tpu.concatenate %slice3A_53, %slice3A_54 in 1 : vector<224x32xbf16>, vector<224x32xbf16> -> vector<224x64xbf16>
    %slice3A_56 = vector.extract_strided_slice %convert_element_type3A_13 {offsets = [0, 96], sizes = [224, 32], strides = [1, 1]} : vector<224x256xbf16> to vector<224x32xbf16>
    %slice3A_57 = vector.extract_strided_slice %convert_element_type3A_6 {offsets = [0, 96], sizes = [224, 32], strides = [1, 1]} : vector<224x256xbf16> to vector<224x32xbf16>
    %concatenate3A_58 = tpu.concatenate %concatenate3A_55, %concatenate3A_55, %slice3A_56, %slice3A_57, %broadcast_in_dim3A_14 in 1 : vector<224x64xbf16>, vector<224x64xbf16>, vector<224x32xbf16>, vector<224x32xbf16>, vector<224x3xbf16> -> vector<224x195xbf16>
    %get3A_59 = arith.constant 3 : index
    %get3A_60 = arith.constant 0 : index
    %get3A_61 = arith.constant 0 : index
    %get3A_62 = vector.load %arg4[%get3A_59, %get3A_60, %get3A_61] : memref<8x1024x195xbf16, #tpu.memory_space<vmem>>, vector<1x1024x195xbf16>
    %get3A_63 = vector.shape_cast %get3A_62 : vector<1x1024x195xbf16> to vector<1024x195xbf16>
    %dot_general3A_64 = arith.constant dense<0.000000e+00> : vector<1024x224xf32>
    %dot_general3A_65 = tpu.matmul %get3A_63, %concatenate3A_58, %dot_general3A_64 {dimension_numbers = #tpu.dot_dimension_numbers<[1], [1], [0], [0], [0, 0, 1, 0], [], []>, transpose_lhs_hint = false} : vector<1024x195xbf16>, vector<224x195xbf16>, vector<1024x224xf32> -> vector<1024x224xf32>
    %argmax3A_66 = tpu.reduce_index %dot_general3A_65 {axis = 0 : i32, kind = #tpu.reduction_kind<arg_max>} : vector<1024x224xf32> -> vector<224xi32>
    %slice3A_67 = vector.extract_strided_slice %convert_element_type3A_6 {offsets = [0, 128], sizes = [224, 32], strides = [1, 1]} : vector<224x256xbf16> to vector<224x32xbf16>
    %slice3A_68 = vector.extract_strided_slice %convert_element_type3A_8 {offsets = [0, 128], sizes = [224, 32], strides = [1, 1]} : vector<224x256xbf16> to vector<224x32xbf16>
    %concatenate3A_69 = tpu.concatenate %slice3A_67, %slice3A_68 in 1 : vector<224x32xbf16>, vector<224x32xbf16> -> vector<224x64xbf16>
    %slice3A_70 = vector.extract_strided_slice %convert_element_type3A_13 {offsets = [0, 128], sizes = [224, 32], strides = [1, 1]} : vector<224x256xbf16> to vector<224x32xbf16>
    %slice3A_71 = vector.extract_strided_slice %convert_element_type3A_6 {offsets = [0, 128], sizes = [224, 32], strides = [1, 1]} : vector<224x256xbf16> to vector<224x32xbf16>
    %concatenate3A_72 = tpu.concatenate %concatenate3A_69, %concatenate3A_69, %slice3A_70, %slice3A_71, %broadcast_in_dim3A_14 in 1 : vector<224x64xbf16>, vector<224x64xbf16>, vector<224x32xbf16>, vector<224x32xbf16>, vector<224x3xbf16> -> vector<224x195xbf16>
    %get3A_73 = arith.constant 4 : index
    %get3A_74 = arith.constant 0 : index
    %get3A_75 = arith.constant 0 : index
    %get3A_76 = vector.load %arg4[%get3A_73, %get3A_74, %get3A_75] : memref<8x1024x195xbf16, #tpu.memory_space<vmem>>, vector<1x1024x195xbf16>
    %get3A_77 = vector.shape_cast %get3A_76 : vector<1x1024x195xbf16> to vector<1024x195xbf16>
    %dot_general3A_78 = arith.constant dense<0.000000e+00> : vector<1024x224xf32>
    %dot_general3A_79 = tpu.matmul %get3A_77, %concatenate3A_72, %dot_general3A_78 {dimension_numbers = #tpu.dot_dimension_numbers<[1], [1], [0], [0], [0, 0, 1, 0], [], []>, transpose_lhs_hint = false} : vector<1024x195xbf16>, vector<224x195xbf16>, vector<1024x224xf32> -> vector<1024x224xf32>
    %argmax3A_80 = tpu.reduce_index %dot_general3A_79 {axis = 0 : i32, kind = #tpu.reduction_kind<arg_max>} : vector<1024x224xf32> -> vector<224xi32>
    %slice3A_81 = vector.extract_strided_slice %convert_element_type3A_6 {offsets = [0, 160], sizes = [224, 32], strides = [1, 1]} : vector<224x256xbf16> to vector<224x32xbf16>
    %slice3A_82 = vector.extract_strided_slice %convert_element_type3A_8 {offsets = [0, 160], sizes = [224, 32], strides = [1, 1]} : vector<224x256xbf16> to vector<224x32xbf16>
    %concatenate3A_83 = tpu.concatenate %slice3A_81, %slice3A_82 in 1 : vector<224x32xbf16>, vector<224x32xbf16> -> vector<224x64xbf16>
    %slice3A_84 = vector.extract_strided_slice %convert_element_type3A_13 {offsets = [0, 160], sizes = [224, 32], strides = [1, 1]} : vector<224x256xbf16> to vector<224x32xbf16>
    %slice3A_85 = vector.extract_strided_slice %convert_element_type3A_6 {offsets = [0, 160], sizes = [224, 32], strides = [1, 1]} : vector<224x256xbf16> to vector<224x32xbf16>
    %concatenate3A_86 = tpu.concatenate %concatenate3A_83, %concatenate3A_83, %slice3A_84, %slice3A_85, %broadcast_in_dim3A_14 in 1 : vector<224x64xbf16>, vector<224x64xbf16>, vector<224x32xbf16>, vector<224x32xbf16>, vector<224x3xbf16> -> vector<224x195xbf16>
    %get3A_87 = arith.constant 5 : index
    %get3A_88 = arith.constant 0 : index
    %get3A_89 = arith.constant 0 : index
    %get3A_90 = vector.load %arg4[%get3A_87, %get3A_88, %get3A_89] : memref<8x1024x195xbf16, #tpu.memory_space<vmem>>, vector<1x1024x195xbf16>
    %get3A_91 = vector.shape_cast %get3A_90 : vector<1x1024x195xbf16> to vector<1024x195xbf16>
    %dot_general3A_92 = arith.constant dense<0.000000e+00> : vector<1024x224xf32>
    %dot_general3A_93 = tpu.matmul %get3A_91, %concatenate3A_86, %dot_general3A_92 {dimension_numbers = #tpu.dot_dimension_numbers<[1], [1], [0], [0], [0, 0, 1, 0], [], []>, transpose_lhs_hint = false} : vector<1024x195xbf16>, vector<224x195xbf16>, vector<1024x224xf32> -> vector<1024x224xf32>
    %argmax3A_94 = tpu.reduce_index %dot_general3A_93 {axis = 0 : i32, kind = #tpu.reduction_kind<arg_max>} : vector<1024x224xf32> -> vector<224xi32>
    %slice3A_95 = vector.extract_strided_slice %convert_element_type3A_6 {offsets = [0, 192], sizes = [224, 32], strides = [1, 1]} : vector<224x256xbf16> to vector<224x32xbf16>
    %slice3A_96 = vector.extract_strided_slice %convert_element_type3A_8 {offsets = [0, 192], sizes = [224, 32], strides = [1, 1]} : vector<224x256xbf16> to vector<224x32xbf16>
    %concatenate3A_97 = tpu.concatenate %slice3A_95, %slice3A_96 in 1 : vector<224x32xbf16>, vector<224x32xbf16> -> vector<224x64xbf16>
    %slice3A_98 = vector.extract_strided_slice %convert_element_type3A_13 {offsets = [0, 192], sizes = [224, 32], strides = [1, 1]} : vector<224x256xbf16> to vector<224x32xbf16>
    %slice3A_99 = vector.extract_strided_slice %convert_element_type3A_6 {offsets = [0, 192], sizes = [224, 32], strides = [1, 1]} : vector<224x256xbf16> to vector<224x32xbf16>
    %concatenate3A_100 = tpu.concatenate %concatenate3A_97, %concatenate3A_97, %slice3A_98, %slice3A_99, %broadcast_in_dim3A_14 in 1 : vector<224x64xbf16>, vector<224x64xbf16>, vector<224x32xbf16>, vector<224x32xbf16>, vector<224x3xbf16> -> vector<224x195xbf16>
    %get3A_101 = arith.constant 6 : index
    %get3A_102 = arith.constant 0 : index
    %get3A_103 = arith.constant 0 : index
    %get3A_104 = vector.load %arg4[%get3A_101, %get3A_102, %get3A_103] : memref<8x1024x195xbf16, #tpu.memory_space<vmem>>, vector<1x1024x195xbf16>
    %get3A_105 = vector.shape_cast %get3A_104 : vector<1x1024x195xbf16> to vector<1024x195xbf16>
    %dot_general3A_106 = arith.constant dense<0.000000e+00> : vector<1024x224xf32>
    %dot_general3A_107 = tpu.matmul %get3A_105, %concatenate3A_100, %dot_general3A_106 {dimension_numbers = #tpu.dot_dimension_numbers<[1], [1], [0], [0], [0, 0, 1, 0], [], []>, transpose_lhs_hint = false} : vector<1024x195xbf16>, vector<224x195xbf16>, vector<1024x224xf32> -> vector<1024x224xf32>
    %argmax3A_108 = tpu.reduce_index %dot_general3A_107 {axis = 0 : i32, kind = #tpu.reduction_kind<arg_max>} : vector<1024x224xf32> -> vector<224xi32>
    %slice3A_109 = vector.extract_strided_slice %convert_element_type3A_6 {offsets = [0, 224], sizes = [224, 32], strides = [1, 1]} : vector<224x256xbf16> to vector<224x32xbf16>
    %slice3A_110 = vector.extract_strided_slice %convert_element_type3A_8 {offsets = [0, 224], sizes = [224, 32], strides = [1, 1]} : vector<224x256xbf16> to vector<224x32xbf16>
    %concatenate3A_111 = tpu.concatenate %slice3A_109, %slice3A_110 in 1 : vector<224x32xbf16>, vector<224x32xbf16> -> vector<224x64xbf16>
    %slice3A_112 = vector.extract_strided_slice %convert_element_type3A_13 {offsets = [0, 224], sizes = [224, 32], strides = [1, 1]} : vector<224x256xbf16> to vector<224x32xbf16>
    %slice3A_113 = vector.extract_strided_slice %convert_element_type3A_6 {offsets = [0, 224], sizes = [224, 32], strides = [1, 1]} : vector<224x256xbf16> to vector<224x32xbf16>
    %concatenate3A_114 = tpu.concatenate %concatenate3A_111, %concatenate3A_111, %slice3A_112, %slice3A_113, %broadcast_in_dim3A_14 in 1 : vector<224x64xbf16>, vector<224x64xbf16>, vector<224x32xbf16>, vector<224x32xbf16>, vector<224x3xbf16> -> vector<224x195xbf16>
    %get3A_115 = arith.constant 7 : index
    %get3A_116 = arith.constant 0 : index
    %get3A_117 = arith.constant 0 : index
    %get3A_118 = vector.load %arg4[%get3A_115, %get3A_116, %get3A_117] : memref<8x1024x195xbf16, #tpu.memory_space<vmem>>, vector<1x1024x195xbf16>
    %get3A_119 = vector.shape_cast %get3A_118 : vector<1x1024x195xbf16> to vector<1024x195xbf16>
    %dot_general3A_120 = arith.constant dense<0.000000e+00> : vector<1024x224xf32>
    %dot_general3A_121 = tpu.matmul %get3A_119, %concatenate3A_114, %dot_general3A_120 {dimension_numbers = #tpu.dot_dimension_numbers<[1], [1], [0], [0], [0, 0, 1, 0], [], []>, transpose_lhs_hint = false} : vector<1024x195xbf16>, vector<224x195xbf16>, vector<1024x224xf32> -> vector<1024x224xf32>
    %argmax3A_122 = tpu.reduce_index %dot_general3A_121 {axis = 0 : i32, kind = #tpu.reduction_kind<arg_max>} : vector<1024x224xf32> -> vector<224xi32>
    %stack3A = vector.shape_cast %argmax3A : vector<224xi32> to vector<1x224xi32>
    %stack3A_123 = vector.shape_cast %argmax3A_38 : vector<224xi32> to vector<1x224xi32>
    %stack3A_124 = vector.shape_cast %argmax3A_52 : vector<224xi32> to vector<1x224xi32>
    %stack3A_125 = vector.shape_cast %argmax3A_66 : vector<224xi32> to vector<1x224xi32>
    %stack3A_126 = vector.shape_cast %argmax3A_80 : vector<224xi32> to vector<1x224xi32>
    %stack3A_127 = vector.shape_cast %argmax3A_94 : vector<224xi32> to vector<1x224xi32>
    %stack3A_128 = vector.shape_cast %argmax3A_108 : vector<224xi32> to vector<1x224xi32>
    %stack3A_129 = vector.shape_cast %argmax3A_122 : vector<224xi32> to vector<1x224xi32>
    %stack3A_130 = tpu.concatenate %stack3A, %stack3A_123, %stack3A_124, %stack3A_125, %stack3A_126, %stack3A_127, %stack3A_128, %stack3A_129 in 0 : vector<1x224xi32>, vector<1x224xi32>, vector<1x224xi32>, vector<1x224xi32>, vector<1x224xi32>, vector<1x224xi32>, vector<1x224xi32>, vector<1x224xi32> -> vector<8x224xi32>
    %swap3A = arith.constant 0 : index
    %swap3A_131 = arith.constant 0 : index
    %swap3A_132 = arith.constant 0 : index
    %swap3A_133 = vector.load %arg3[%swap3A, %swap3A_131, %swap3A_132] : memref<1x8x224xi32, #tpu.memory_space<vmem>>, vector<1x8x224xi32>
    %swap3A_134 = vector.shape_cast %swap3A_133 : vector<1x8x224xi32> to vector<8x224xi32>
    %swap3A_135 = vector.shape_cast %stack3A_130 : vector<8x224xi32> to vector<1x8x224xi32>
    tpu.vector_store %arg3[%swap3A, %swap3A_131, %swap3A_132], %swap3A_135 {strides = array<i32>} : memref<1x8x224xi32, #tpu.memory_space<vmem>>, vector<1x8x224xi32>,
    return
  }
  func.func @transform_0(%arg0: i32) -> (i32, i32, i32) {
    %c0_i32 = arith.constant 0 : i32
    %c0_i32_0 = arith.constant 0 : i32
    %c0_i32_1 = arith.constant 0 : i32
    return %arg0, %c0_i32, %c0_i32_0 : i32, i32, i32
  }
  func.func @transform_1(%arg0: i32) -> (i32, i32, i32) {
    %c0_i32 = arith.constant 0 : i32
    %c0_i32_0 = arith.constant 0 : i32
    %c0_i32_1 = arith.constant 0 : i32
    %c0_i32_2 = arith.constant 0 : i32
    return %c0_i32, %c0_i32_0, %c0_i32_1 : i32, i32, i32
  }
  func.func @transform_2(%arg0: i32) -> (i32, i32, i32) {
    %c0_i32 = arith.constant 0 : i32
    %c0_i32_0 = arith.constant 0 : i32
    %c0_i32_1 = arith.constant 0 : i32
    return %arg0, %c0_i32, %c0_i32_0 : i32, i32, i32
  }
}

</mosaic_0001>

<sc_bundles>
// kernel: kernel.4.cloned.1.call-start
scs
__scs_entry_jumppad:
0x0: {  	(pc) =	sbr.rel $0x88, $3  }
0x1: {  	(tag) =	ssettag $0x0;
	lr =	simm.s32 $0x1  }
0x2: {  	[smem:$0x3F9F] =	sst lr;
	_ =	strace $0xD0000000  }
0x3: {  	_ = 	snop  }
0x4: {  	_ = 	snop  }
0x5: {  	_ = 	snop  }
0x6: {  	_ = 	snop  }
0x7: {  	_ = 	snop  }
__scs_overlays_trampoline_lowered:
0x8: {  	[smem:$0x3FAE] =	sst s0  }
0x9: {  	[smem:$0x3FAF] =	sst s1  }
0xa: {  	[smem:$0x3FB0] =	sst s2  }
0xb: {  	[smem:$0x3FB1] =	sst s3  }
0xc: {  	[smem:$0x3FB2] =	sst s4  }
0xd: {  	[smem:$0x3FB3] =	sst s5  }
0xe: {  	[smem:$0x3FB4] =	sst s6  }
0xf: {  	[smem:$0x3FB5] =	sst s7  }
0x10: {  	[smem:$0x3FB6] =	sst s8  }
0x11: {  	[smem:$0x3FB7] =	sst s9;
	s0 =	simm.s32 @!p0 $0x0  }
0x12: {  	s1 =	sld [smem:$0x3F9D];
	s0 =	simm.s32 @p0 $0x1  }
0x13: {  	[smem:$0x3FB8] =	sst s0;
	s0 =	simm.s32 @!p1 $0x0  }
0x14: {  	s2 =	sld [smem:$0x3F9C];
	s0 =	simm.s32 @p1 $0x1  }
0x15: {  	[smem:$0x3FB9] =	sst s0;
	s0 =	simm.s32 @!p2 $0x0  }
0x16: {  	s3 =	sld [smem:$0x3FDB];
	s0 =	simm.s32 @p2 $0x1  }
0x17: {  	s4 =	simm.s32 $0x1BF5;
	[smem:$0x3FBB] =	sst s0  }
0x18: {  	s0 =	sld [smem:$0x3F9E];
	_ =	swait.ge [sflag:s4], $0x0  }
0x19: {  	s7 =	sld [smem:$0x3F9F]  }
0x1a: {  	s8 =	sadd.s32 $0xFFFFE003, lr  }
0x1b: {  	s9 =	sadd.s32 $0xFFFFFEF7, lr;
	s5 =	simm.s32 $0xFFFFFFFF;
	p2 =	slt.u32 s8, $0xFFFFF086  }
0x1c: {  	p1 =	slt.u32 s9, $0xF7A;
	s5 =	simm.s32 @!p2 $0x0  }
0x1d: {  	s5 =	simm.s32 @p1 $0x1;
	p0 =	seq.s32 s7, s2  }
0x1e: {  	s7 =	smul.u32 @!p0 $0xF7A, s2;
	p2 =	seq.s32 @!p0 s5, $0x0  }
0x1f: {  	s9 =	smul.u32 $0xF7A, s1;
	s8 =	simm.s32 @!p0 $0x1BF5;
	p2 =	por !p2, p0  }
0x20: {  	[sflag:s8] =	ssyncset.s32 @!p0 $0xFFFFF086;
	s6 =	sadd.s32 @!p0 s3, s7;
	s7 =	simm.s32 @!p0 $0x108  }
0x21: {  	s3 =	sadd.s32 s3, s9;
	s6 =	sadd.s32 @!p0 $0x88, s6;
	s7 =	simm.s32 @p2 $0x1082  }
0x22: {  	[simem:s7], [sflag:s8] =	dma.local @!p0 [hbm:s6], $0xF7A  }
0x23: {  	s9 =	sor.u32 $0xD0000000, s2;
	s6 =	simm.s32 $0x108;
	_ =	swait.ge @!p0 [sflag:s8], $0x0  }
0x24: {  	s3 =	sadd.s32 $0x88, s3;
	s6 =	simm.s32 @!p1 $0x1082;
	[sflag:s4] =	ssyncset.s32 $0xFFFFF086  }
0x25: {  	[simem:s6], [sflag:s4] =	dma.local [hbm:s3], $0xF7A  }
0x26: {  	[smem:$0x3F9F] =	sst s1;
	(tag) =	ssettag s2;
	_ =	strace s9  }
0x27: {  	s1 =	sld [smem:$0x3FAF]  }
0x28: {  	s2 =	sld [smem:$0x3FB0]  }
0x29: {  	s4 =	sld [smem:$0x3FB2]  }
0x2a: {  	p0 =	seq.s32 s5, $0x0;
	s5 =	sld [smem:$0x3FB3]  }
0x2b: {  	s6 =	sld [smem:$0x3FB4]  }
0x2c: {  	s7 =	sld [smem:$0x3FB5]  }
0x2d: {  	s3 =	simm.s32 $0x108;
	s8 =	sld [smem:$0x3FB6]  }
0x2e: {  	s3 =	simm.s32 @!p0 $0x1082;
	s9 =	sld [smem:$0x3FB7]  }
0x2f: {  	lr =	sadd.s32 s0, s3;
	s0 =	sld [smem:$0x3FAE]  }
0x30: {  	s3 =	sld [smem:$0x3FB1]  }
0x31: {  	[smem:$0x3FBA] =	sst s10  }
0x32: {  	s10 =	sld [smem:$0x3FB8];
	_ =	sdelay $0x3  }
0x33: {  	p0 =	seq.s32 s10, $0x1;
	s10 =	sld [smem:$0x3FBA];
	_ =	sdelay $0x3  }
0x34: {  	[smem:$0x3FBA] =	sst s10  }
0x35: {  	s10 =	sld [smem:$0x3FB9];
	_ =	sdelay $0x3  }
0x36: {  	p1 =	seq.s32 s10, $0x1;
	s10 =	sld [smem:$0x3FBA];
	_ =	sdelay $0x3  }
0x37: {  	[smem:$0x3FBA] =	sst s10  }
0x38: {  	s10 =	sld [smem:$0x3FBB]  }
0x39: {  	_ = 	snop;
	(pc) =	sbr.ind lr, $3  }
0x3a: {  	_ = 	snop  }
0x3b: {  	_ = 	snop  }
0x3c: {  	p2 =	seq.s32 s10, $0x1;
	s10 =	sld [smem:$0x3FBA]  }
0x3d: {  	_ =	shalt  }
0x3e: {  	_ =	shalt  }
0x3f: {  	_ =	shalt  }
0x40: {  	_ =	shalt  }
0x41: {  	_ =	shalt  }
0x42: {  	_ =	shalt  }
0x43: {  	_ =	shalt  }
0x44: {  	_ =	shalt  }
0x45: {  	_ =	shalt  }
0x46: {  	_ =	shalt  }
0x47: {  	_ =	shalt  }
0x48: {  	_ =	shalt  }
0x49: {  	_ =	shalt  }
0x4a: {  	_ =	shalt  }
0x4b: {  	_ =	shalt  }
0x4c: {  	_ =	shalt  }
0x4d: {  	_ =	shalt  }
0x4e: {  	_ =	shalt  }
0x4f: {  	_ =	shalt  }
0x50: {  	_ =	shalt  }
0x51: {  	_ =	shalt  }
0x52: {  	_ =	shalt  }
0x53: {  	_ =	shalt  }
0x54: {  	_ =	shalt  }
0x55: {  	_ =	shalt  }
0x56: {  	_ =	shalt  }
0x57: {  	_ =	shalt  }
0x58: {  	_ =	shalt  }
0x59: {  	_ =	shalt  }
0x5a: {  	_ =	shalt  }
0x5b: {  	_ =	shalt  }
0x5c: {  	_ =	shalt  }
0x5d: {  	_ =	shalt  }
0x5e: {  	_ =	shalt  }
0x5f: {  	_ =	shalt  }
0x60: {  	_ =	shalt  }
0x61: {  	_ =	shalt  }
0x62: {  	_ =	shalt  }
0x63: {  	_ =	shalt  }
0x64: {  	_ =	shalt  }
0x65: {  	_ =	shalt  }
0x66: {  	_ =	shalt  }
0x67: {  	_ =	shalt  }
0x68: {  	_ =	shalt  }
0x69: {  	_ =	shalt  }
0x6a: {  	_ =	shalt  }
0x6b: {  	_ =	shalt  }
0x6c: {  	_ =	shalt  }
0x6d: {  	_ =	shalt  }
0x6e: {  	_ =	shalt  }
0x6f: {  	_ =	shalt  }
0x70: {  	_ =	shalt  }
0x71: {  	_ =	shalt  }
0x72: {  	_ =	shalt  }
0x73: {  	_ =	shalt  }
0x74: {  	_ =	shalt  }
0x75: {  	_ =	shalt  }
0x76: {  	_ =	shalt  }
0x77: {  	_ =	shalt  }
0x78: {  	_ =	shalt  }
0x79: {  	_ =	shalt  }
0x7a: {  	_ =	shalt  }
0x7b: {  	_ =	shalt  }
0x7c: {  	_ =	shalt  }
0x7d: {  	_ =	shalt  }
0x7e: {  	_ =	shalt  }
0x7f: {  	_ =	shalt  }
0x80: {  	_ =	shalt  }
0x81: {  	_ =	shalt  }
0x82: {  	_ =	shalt  }
0x83: {  	_ =	shalt  }
0x84: {  	_ =	shalt  }
0x85: {  	_ =	shalt  }
0x86: {  	_ =	shalt  }
0x87: {  	_ =	shalt  }
.Lfunc_end0:
.L_simem_size_0:
called_computation_lowered:
.L_overlay_start_0:
0x88: {  	s2 =	sld [smem:$0x3FD9]  }
0x89: {  	s3 =	sld [smem:$0x3FFE];
	_ =	sdelay $0x1  }
0x8a: {  	s1 =	srdreg.scid  }
0x8b: {  	s0 =	sand.u32 $0x1, s1  }
0x8c: {  	s14 =	sshll.u32 s0, $0xA;
	s2 =	sadd.s32 s3, s2  }
0x8d: {  	s2 =	sadd.s32 s2, s14  }
0x8e: {  	[smem:$0x3FC6] =	sst s2  }
0x8f: {  	_ = 	snop  }
0x90: {  	s2 =	sld [smem:$0x3FD0];
	_ =	sdelay $0x2  }
0x91: {  	s15 =	simm.s32 $0xA;
	s4 =	simm.s32 $0x10  }
0x92: {  	[smem:s4], [sflag:s15] =	dma.local [hbm:s2], $0x1  }
0x93: {  	_ =	swait.eq [sflag:s15], $0x1  }
0x94: {  	[sflag:s15] =	ssyncset.done $0x0  }
0x95: {  	[sflag:s15] =	ssyncadd.s32 $0xFFFFFFFF  }
0x96: {  	s16 =	sld [smem:$0x11];
	(tm) =	ssettm $0x1  }
0x97: {  	s17 =	sld [smem:$0x3FFB];
	_ =	sdelay $0x3  }
0x98: {  	_ =	strace s17  }
0x99: {  	s3 =	sld [smem:$0x3FFC];
	_ =	sdelay $0x3  }
0x9a: {  	_ =	strace s3  }
0x9b: {  	s3 =	sld [smem:$0x3FFD];
	_ =	sdelay $0x3  }
0x9c: {  	_ =	strace s3  }
0x9d: {  	_ =	strace $0x8FFFFFFF  }
0x9e: {  	s18 =	sld [smem:$0x3FDB];
	_ =	sdelay $0x1  }
0x9f: {  	s19 =	simm.s32 $_scs_section_size  }
0xa0: {  	s5 =	simm.s32 $_size__tile_overlayer_lowered;
	s6 =	simm.s32 $_tile_overlayer_lowered  }
0xa1: {  	s22 =	simm.s32 $0x1BFF;
	s21 =	sshll.u32 s6, $0x1;
	s3 =	sadd.s32 s19, s18  }
0xa2: {  	s7 =	simm.s32 $0x0;
	s20 =	sshll.u32 s5, $0x1;
	s5 =	sadd.s32 s21, s3  }
0xa3: {  	[timem:s7], [sflag:s22] =	dma.local [hbm:s5], s20  }
0xa4: {  	_ =	swait.ge [sflag:s22], s20  }
0xa5: {  	s4 =	ssub.s32 $0x0, s20;
	[sflag:s22] =	ssyncset.done $0x0  }
0xa6: {  	[sflag:s22] =	ssyncadd.s32 s4;
	_ =	sdelay $0x1  }
0xa7: {  	s23 =	simm.s32 $0x1B8B  }
0xa8: {  	_ =	swait.ge [sflag:s23], $0x1  }
0xa9: {  	[sflag:s23] =	ssyncset.done $0x0  }
0xaa: {  	s25 =	simm.s32 $0x1B8E;
	s24 =	sld [smem:$0x3FFE];
	[sflag:s23] =	ssyncadd.s32 $0xFFFFFFFF  }
0xab: {  	s26 =	simm.s32 $execute0_lowered;
	[smem:$0x3FD2] =	sst s25  }
0xac: {  	s5 =	sshll.u32 s26, $0x1;
	_ =	strace $0x80000046;
	[dreg:$0x1] =	wrdreg $0xFFFFFFFF  }
0xad: {  	s28 =	simm.s32 $_size_execute0_lowered;
	s3 =	sadd.s32 s3, s5;
	[dreg:$0x0] =	wrdreg $0x0  }
0xae: {  	s5 =	sshll.u32 s28, $0x1;
	[dreg:$0x2] =	wrdreg s3  }
0xaf: {  	[dreg:$0x3] =	wrdreg s5  }
0xb0: {  	[dreg:$0x4] =	wrdreg $0xC0  }
0xb1: {  	_ =	task [dreg:s7], $0x5FFFF  }
0xb2: {  	[dreg:$0x1] =	wrdreg $0xFFFFFFFF  }
0xb3: {  	[dreg:$0x0] =	wrdreg $0x60  }
0xb4: {  	[dreg:$0x2] =	wrdreg s24  }
0xb5: {  	[dreg:$0x3] =	wrdreg s16  }
0xb6: {  	[dreg:$0x4] =	wrdreg $0x9  }
0xb7: {  	_ =	task.clear_ibuf [dreg:s7], $0x5FFFF;
	_ =	strace $0x90000046  }
0xb8: {  	s29 =	simm.s32 $0x9;
	_ =	strace $0x80000048  }
0xb9: {  	_ =	swait.ge [sflag:s29], $0x1  }
0xba: {  	[sflag:s29] =	ssyncadd.s32 $0xFFFFFFFF  }
0xbb: {  	_ =	strace $0x90000048  }
0xbc: {  	_ =	sfence  }
0xbd: {  	s30 =	sld [smem:$0x0];
	_ =	sdelay $0x2  }
0xbe: {  	s31 =	sshll.u32 s1, $0xD;
	s1 =	sshrl.u32 s1, $0x2  }
0xbf: {  	s3 =	sand.u32 $0x4000, s31;
	s1 =	sadd.s32 s1, s30  }
0xc0: {  	s0 =	sor.u32 s3, s0;
	s1 =	sshll.u32 s1, $0x11  }
0xc1: {  	s0 =	sor.u32 s1, s0  }
0xc2: {  	s0 =	sadd.s32 $0x8F2B, s0  }
0xc3: {  	[sflag:s0] =	ssyncadd.remote.s32 $0x1  }
0xc4: {  	_ =	sfence.sel $0xFFFF  }
0xc5: {  	[dreg:$0x0] =	wrdreg $0xFFFFFFFF;
	(pc) =	sbr.abs _section_cstart, $3  }
0xc6: {  	[dreg:$0x1] =	wrdreg $0xFFFFFFFF  }
0xc7: {  	_ =	task.clear_ibuf [dreg:s7], $0x2FFFF;
	_ =	strace $0x9FFFFFFF  }
0xc8: {  	(tm) =	ssettm $0x7FFFFFFF  }
0xc9: {  	_ =	shalt  }
tec
execute0_lowered:
.L_overlay_start_1:
0x0: {  	(tag) =	ssettag $0x1  }
0x1: {  	s15 =	rddreg [dreg:$0x0]  }
0x2: {  	s1 =	srdreg.scid;
	s0 =	stileid.u32  }
0x3: {  	s3 =	rddreg [dreg:$0x1];
	s16 =	sand.u32 $0x1, s1;
	s4 =	sshll.u32 s0, $0x1  }
0x4: {  	s2 =	simm.s32 $0x0;
	s1 =	rddreg [dreg:$0x2];
	s17 =	sor.u32 s16, s4  }
0x5: {  	[smem:$0x7FF] =	sst s2;
	s4 =	sshll.u32 s17, $0x6  }
0x6: {  	_ =	strace $0x80000047;
	s4 =	sadd.s32 s3, s4;
	s3 =	simm.s32 $0x2  }
0x7: {  	[tilespmem:s2], [sflag:$0x2] =	stream.linear.gather [hbm4b:s4+s2], $0x200, $0x38;
	[tilespmem:$0xD200] =	vst v63  }
0x8: {  	_ =	swait.ge [sflag:s3], $0x200  }
0x9: {  	s6 =	simm.s32 $0x62;
	[sflag:s3] =	ssyncset.done $0x0  }
0xa: {  	s7 =	simm.s32 $0x200;
	s5 =	sadd.s32 $0x600, s15;
	[sflag:s3] =	ssyncadd.s32 $0xFFFFFE00  }
0xb: {  	[tilespmem:s7], [sflag:$0x1] =	stream.indirect.gather [hbm4b:s5+s6], $0x80, s2, s6, $0xb8;
	[tilespmem:$0xD200] =	vst v63  }
0xc: {  	s8 =	simm.s32 $0x80;
	s9 =	simm.s32 $0x3600  }
0xd: {  	[tilespmem:s9], [sflag:$0x1] =	stream.indirect.gather [hbm4b:s5+s6], $0x80, s8, s6, $0xb8;
	[tilespmem:$0xD200] =	vst v63  }
0xe: {  	s10 =	simm.s32 $0x100;
	s11 =	simm.s32 $0x6A00  }
0xf: {  	[tilespmem:s11], [sflag:$0x1] =	stream.indirect.gather [hbm4b:s5+s6], $0x80, s10, s6, $0xb8;
	[tilespmem:$0xD200] =	vst v63  }
0x10: {  	s12 =	simm.s32 $0x180;
	s13 =	simm.s32 $0x9E00;
	s14 =	simm.s32 $0x1  }
0x11: {  	[tilespmem:s13], [sflag:$0x1] =	stream.indirect.gather [hbm4b:s5+s6], $0x80, s12, s6, $0xb8;
	[tilespmem:$0xD200] =	vst v63  }
0x12: {  	_ =	swait.ge [sflag:s14], $0x3100  }
0x13: {  	[sflag:s14] =	ssyncset.done $0x0  }
0x14: {  	[sflag:s14] =	ssyncadd.s32 $0xFFFFCF00  }
0x15: {  	_ =	swait.ge [sflag:s14], $0x3100  }
0x16: {  	[sflag:s14] =	ssyncset.done $0x0  }
0x17: {  	[sflag:s14] =	ssyncadd.s32 $0xFFFFCF00  }
0x18: {  	_ =	swait.ge [sflag:s14], $0x3100  }
0x19: {  	[sflag:s14] =	ssyncset.done $0x0  }
0x1a: {  	s17 =	smul.u32 $0x1A00, s17;
	[sflag:s14] =	ssyncadd.s32 $0xFFFFCF00  }
0x1b: {  	s31 =	ssub.s32 $0x2, s16;
	_ =	swait.ge [sflag:s14], $0x3100  }
0x1c: {  	s18 =	sshrl.u32 s31, $0x1;
	s15 =	sadd.s32 s17, s15;
	[sflag:s14] =	ssyncset.done $0x0  }
0x1d: {  	s18 =	ssub.s32 s31, s18;
	s15 =	sadd.s32 $0x20600, s15;
	[sflag:s14] =	ssyncadd.s32 $0xFFFFCF00  }
0x1e: {  	[hbm4b:s15+s2] =	stream.linear.scatter [tilespmem:s7], [sflag:$0x2], $0x3100, $0x38;
	[tilespmem:$0xD200] =	vst v63  }
0x1f: {  	s19 =	smax.u32 s18, $0x1;
	s16 =	sadd.s32 $0x680, s15  }
0x20: {  	[hbm4b:s16+s2] =	stream.linear.scatter [tilespmem:s9], [sflag:$0x2], $0x3100, $0x38;
	[tilespmem:$0xD200] =	vst v63  }
0x21: {  	p0 =	sne.s32 s19, $0x1;
	s17 =	sadd.s32 $0xD00, s15  }
0x22: {  	[hbm4b:s17+s2] =	stream.linear.scatter [tilespmem:s11], [sflag:$0x2], $0x3100, $0x38;
	[tilespmem:$0xD200] =	vst v63  }
.Ltmp0:
0x23: {  	_ = 	snop;
	(pc) =	sbr.rel @!p0 .LBB2_2-.Ltmp0, $4  }
0x24: {  	s18 =	sadd.s32 $0x1380, s15  }
0x25: {  	[hbm4b:s18+s2] =	stream.linear.scatter [tilespmem:s13], [sflag:$0x2], $0x3100, $0x38;
	[tilespmem:$0xD200] =	vst v63  }
0x26: {  	_ =	swait.ge [sflag:s3], $0xC400  }
0x27: {  	s19 =	sadd.s32 $0xFFFFFFFF, s19;
	[sflag:s3] =	ssyncset.done $0x0  }
.LBB2_1:
0x28: {  	p0 =	sne.s32 s19, $0x1;
	s19 =	sadd.s32 $0xFFFFFFFF, s19;
	[sflag:s3] =	ssyncadd.s32 $0xFFFF3C00  }
0x29: {  	_ = 	snop  }
0x2a: {  	[tilespmem:s2], [sflag:$0x2] =	stream.linear.gather [hbm4b:s4+s2], $0x200, $0x38;
	[tilespmem:$0xD200] =	vst v63  }
0x2b: {  	_ =	swait.ge [sflag:s3], $0x200  }
0x2c: {  	[sflag:s3] =	ssyncset.done $0x0  }
0x2d: {  	[sflag:s3] =	ssyncadd.s32 $0xFFFFFE00  }
0x2e: {  	[tilespmem:s7], [sflag:$0x1] =	stream.indirect.gather [hbm4b:s5+s6], $0x80, s2, s6, $0xb8;
	[tilespmem:$0xD200] =	vst v63  }
0x2f: {  	_ = 	snop  }
0x30: {  	[tilespmem:s9], [sflag:$0x1] =	stream.indirect.gather [hbm4b:s5+s6], $0x80, s8, s6, $0xb8;
	[tilespmem:$0xD200] =	vst v63  }
0x31: {  	_ = 	snop  }
0x32: {  	[tilespmem:s11], [sflag:$0x1] =	stream.indirect.gather [hbm4b:s5+s6], $0x80, s10, s6, $0xb8;
	[tilespmem:$0xD200] =	vst v63  }
0x33: {  	_ = 	snop  }
0x34: {  	[tilespmem:s13], [sflag:$0x1] =	stream.indirect.gather [hbm4b:s5+s6], $0x80, s12, s6, $0xb8;
	[tilespmem:$0xD200] =	vst v63  }
0x35: {  	_ =	swait.ge [sflag:s14], $0x3100  }
0x36: {  	[sflag:s14] =	ssyncset.done $0x0  }
0x37: {  	[sflag:s14] =	ssyncadd.s32 $0xFFFFCF00  }
0x38: {  	_ =	swait.ge [sflag:s14], $0x3100  }
0x39: {  	[sflag:s14] =	ssyncset.done $0x0  }
0x3a: {  	[sflag:s14] =	ssyncadd.s32 $0xFFFFCF00  }
0x3b: {  	_ =	swait.ge [sflag:s14], $0x3100  }
0x3c: {  	[sflag:s14] =	ssyncset.done $0x0  }
0x3d: {  	[sflag:s14] =	ssyncadd.s32 $0xFFFFCF00  }
0x3e: {  	_ =	swait.ge [sflag:s14], $0x3100  }
0x3f: {  	[sflag:s14] =	ssyncset.done $0x0  }
0x40: {  	[sflag:s14] =	ssyncadd.s32 $0xFFFFCF00  }
0x41: {  	[hbm4b:s15+s2] =	stream.linear.scatter [tilespmem:s7], [sflag:$0x2], $0x3100, $0x38;
	[tilespmem:$0xD200] =	vst v63  }
0x42: {  	_ = 	snop  }
0x43: {  	[hbm4b:s16+s2] =	stream.linear.scatter [tilespmem:s9], [sflag:$0x2], $0x3100, $0x38;
	[tilespmem:$0xD200] =	vst v63  }
0x44: {  	_ = 	snop  }
0x45: {  	[hbm4b:s17+s2] =	stream.linear.scatter [tilespmem:s11], [sflag:$0x2], $0x3100, $0x38;
	[tilespmem:$0xD200] =	vst v63  }
.Ltmp1:
0x46: {  	_ = 	snop;
	(pc) =	sbr.rel @p0 .LBB2_1-.Ltmp1, $4  }
0x47: {  	_ = 	snop  }
0x48: {  	[hbm4b:s18+s2] =	stream.linear.scatter [tilespmem:s13], [sflag:$0x2], $0x3100, $0x38;
	[tilespmem:$0xD200] =	vst v63  }
0x49: {  	_ =	swait.ge [sflag:s3], $0xC400  }
0x4a: {  	[sflag:s3] =	ssyncset.done $0x0  }
.LBB2_2:
0x4b: {  	[sflag:s3] =	ssyncadd.s32 $0xFFFF3C00  }
0x4c: {  	_ =	sfence.sel $0x180000  }
0x4d: {  	[bflag:$0x0] =	sbarrier.arrive $0xFFFF  }
0x4e: {  	p0 =	sne.s32 s0, $0x0;
	_ =	strace $0x90000047  }
0x4f: {  	s0 =	sadd.s32 @!p0 $0x100000, s1;
	[bflag:$0x2] =	sbarrier.arrive $0xFFFF  }
0x50: {  	[sflag:s0] =	ssyncadd.tile.s32 @!p0 $0x1;
	_ =	shalt  }
.Lfunc_end2:
_tile_overlayer_lowered:
.L_overlay_start_2:
0x51: {  	(tag) =	ssettag $0x2  }
0x52: {  	s0 =	rddreg [dreg:$0x0];
	s2 =	stileid.u32  }
0x53: {  	s1 =	rddreg [dreg:$0x1];
	p0 =	sne.s32 s2, $0x0  }
0x54: {  	s3 =	rddreg [dreg:$0x2];
	[bflag:$0x3] =	sbarrier.arrive $0xFFFF;
	s2 =	simm.s32 @!p0 $0x1C02  }
0x55: {  	[timem:s3], [sflag:s2] =	dma.local @!p0 [hbm:s0], s1  }
0x56: {  	s0 =	simm.s32 @!p0 $0x2  }
0x57: {  	_ =	swait.ge @!p0 [sflag:s0], s1  }
0x58: {  	s1 =	ssub.s32 @!p0 $0x0, s1;
	[sflag:s0] =	ssyncset.done @!p0 $0x0  }
0x59: {  	[sflag:s0] =	ssyncadd.s32 @!p0 s1  }
0x5a: {  	[bflag:$0x3] =	sbarrier.arrive $0xFFFF  }
0x5b: {  	_ =	shalt  }

</sc_bundles>
